<compile_context>
chip_gen: v7x
topology: tpu7x:2x2x1
jax: 0.10.2.dev20260603
libtpu: 0.0.44.dev20260713+nightly
codegen_flags: <defaults>
</compile_context>

<pallas_src>
import functools

import jax
import jax.numpy as jnp
from jax import lax
from jax.experimental import pallas as pl
from jax.experimental.pallas import tpu as pltpu
from jax.experimental.pallas import tpu_sc as plsc

THRESH_IGNORE = 255
K_KEEP = 100000

B, C, H, W = 8, 19, 512, 512
N = B * H * W
SPLIT = 6
N0 = SPLIT * H * W
N1 = N - N0

SHIFT = 21
NBINS = 1024
NLANE = 16
TROWS = NBINS * NLANE // 128

NWORKERS = 32

ROWS = 256
OROWS = ROWS * W // 128


def _loss_body(x_ref, t_ref, out_ref, rows):
    x = x_ref[0]
    t = t_ref[0]
    m = jnp.max(x, axis=0)
    s = jnp.sum(jnp.exp(x - m[None]), axis=0)
    xt = jnp.zeros_like(m)
    for c in range(C):
        xt = jnp.where(t == c, x[c], xt)
    nll = jnp.log(s) + m - xt
    nll = jnp.where(t == THRESH_IGNORE, 0.0, nll)
    for j in range(W // 128):
        out_ref[pl.ds(j * rows, rows), :] = nll[:, j * 128:(j + 1) * 128]


def _pixel_losses(inputs, targets, b0, bn, rows=ROWS):
    grid = (bn, H // rows)
    nb = H // rows
    orows = rows * W // 128

    def body(x_ref, t_ref, out_ref):
        _loss_body(x_ref, t_ref, out_ref, rows)

    return pl.pallas_call(
        body,
        grid=grid,
        in_specs=[
            pl.BlockSpec((1, C, rows, W), lambda b, h: (b + b0, 0, h, 0)),
            pl.BlockSpec((1, rows, W), lambda b, h: (b + b0, h, 0)),
        ],
        out_specs=pl.BlockSpec((orows, 128), lambda b, h: (b * nb + h, 0)),
        out_shape=jax.ShapeDtypeStruct((bn * nb * orows, 128), jnp.float32),
    )(inputs, targets)


def _make_sc_histograms(n_elems):
    chunk = n_elems // NWORKERS
    npiece = 2
    piece = chunk // npiece

    def _sc_hist_body(loss_hbm, cnt_out, sum_out,
                      buf0, buf1, cnt_tab, sum_tab, sem0, sem1):
        cid = lax.axis_index("c")
        sid = lax.axis_index("s")
        wid = sid * 2 + cid
        base = wid * chunk

        lane = lax.iota(jnp.int32, NLANE)
        ones = jnp.ones((NLANE,), jnp.float32)
        zeros = jnp.zeros((NLANE,), jnp.float32)
        bufs = (buf0, buf1)
        sems = (sem0, sem1)

        copies = [None] * npiece
        copies[0] = pltpu.make_async_copy(
            loss_hbm.at[pl.ds(base, piece)], buf0, sem0)
        copies[0].start()

        @plsc.parallel_loop(0, TROWS * 8, unroll=8)
        def zero_body(i):
            r = lax.shift_right_logical(i, 3)
            c0 = (i & 7) * NLANE
            cnt_tab[r, pl.ds(c0, NLANE)] = zeros
            sum_tab[r, pl.ds(c0, NLANE)] = zeros
        for p in range(npiece):
            if p + 1 < npiece:
                copies[p + 1] = pltpu.make_async_copy(
                    loss_hbm.at[pl.ds(base + (p + 1) * piece, piece)],
                    bufs[(p + 1) % 2], sems[(p + 1) % 2])
                copies[p + 1].start()
            copies[p].wait()
            buf = bufs[p % 2]

            @plsc.parallel_loop(0, piece // NLANE, unroll=8)
            def hist_body(i):
                v = buf[pl.ds(i * NLANE, NLANE)]
                bits = plsc.bitcast(v, jnp.int32)
                idx = lax.shift_right_logical(bits, SHIFT) * NLANE + lane
                row = lax.shift_right_logical(idx, 7)
                col = idx & 127
                plsc.addupdate_scatter(cnt_tab, [row, col], ones)
                plsc.addupdate_scatter(sum_tab, [row, col], v)

        pltpu.sync_copy(cnt_tab, cnt_out.at[wid])
        pltpu.sync_copy(sum_tab, sum_out.at[wid])

    mesh = plsc.VectorSubcoreMesh(core_axis_name="c", subcore_axis_name="s")
    return functools.partial(
        pl.kernel,
        mesh=mesh,
        compiler_params=pltpu.CompilerParams(needs_layout_passes=False),
        out_type=(
            jax.ShapeDtypeStruct((NWORKERS, TROWS, 128), jnp.float32),
            jax.ShapeDtypeStruct((NWORKERS, TROWS, 128), jnp.float32),
        ),
        scratch_types=[
            pltpu.VMEM((piece,), jnp.float32),
            pltpu.VMEM((piece,), jnp.float32),
            pltpu.VMEM((TROWS, 128), jnp.float32),
            pltpu.VMEM((TROWS, 128), jnp.float32),
            pltpu.SemaphoreType.DMA,
            pltpu.SemaphoreType.DMA,
        ],
    )(_sc_hist_body)


def _merge_body(cnt_ref, sum_ref, cnt_out, sum_out):
    cnt_out[...] = jnp.sum(cnt_ref[...], axis=0)
    sum_out[...] = jnp.sum(sum_ref[...], axis=0)


def _premerge(cnt, sm):
    spec3 = pl.BlockSpec((NWORKERS, TROWS, 128), lambda: (0, 0, 0))
    spec2 = pl.BlockSpec((TROWS, 128), lambda: (0, 0))
    return pl.pallas_call(
        _merge_body,
        in_specs=[spec3, spec3],
        out_specs=(spec2, spec2),
        out_shape=(jax.ShapeDtypeStruct((TROWS, 128), jnp.float32),
                   jax.ShapeDtypeStruct((TROWS, 128), jnp.float32)),
    )(cnt, sm)


def _select_body(cnt0_ref, sum0_ref, cnt1_ref, sum1_ref, out_ref):
    cnt = cnt0_ref[...] + jnp.sum(cnt1_ref[...], axis=0)
    sm = sum0_ref[...] + jnp.sum(sum1_ref[...], axis=0)

    r_i = lax.broadcasted_iota(jnp.int32, (TROWS, 128), 0)
    c_i = lax.broadcasted_iota(jnp.int32, (TROWS, 128), 1)
    bin_idx = lax.shift_right_logical(r_i * 128 + c_i, 4)

    kf = jnp.float32(K_KEEP)

    def n_gt(x):
        return jnp.sum(jnp.where(bin_idx > x, cnt, 0.0))

    def bis(_, lohi):
        lo, hi = lohi
        mid = (lo + hi) // 2
        below = n_gt(mid) < kf
        return jnp.where(below, lo, mid), jnp.where(below, mid, hi)

    lo, hi = lax.fori_loop(0, 12, bis, (jnp.int32(-1), jnp.int32(NBINS - 1)))
    b_sel = hi

    count_above = n_gt(b_sel)
    sum_above = jnp.sum(jnp.where(bin_idx > b_sel, sm, 0.0))
    c_b = jnp.sum(jnp.where(bin_idx == b_sel, cnt, 0.0))
    s_b = jnp.sum(jnp.where(bin_idx == b_sel, sm, 0.0))
    r = kf - count_above

    lo_f_vec = lax.bitcast_convert_type(
        lax.shift_left(bin_idx, SHIFT), jnp.float32)
    lo_f = jnp.sum(jnp.where(bin_idx == b_sel, lo_f_vec, 0.0)) / NLANE
    hi_f = jnp.sum(jnp.where(bin_idx == b_sel + 1, lo_f_vec, 0.0)) / NLANE
    width = hi_f - lo_f

    mhat = (s_b / c_b - lo_f) / width
    bq = jnp.clip(12.0 * mhat - 6.0, -2.0, 2.0)
    aq = 1.0 - bq / 2.0
    tq = r / c_b
    small_b = jnp.abs(bq) < 1e-3
    b_safe = jnp.where(small_b, 1.0, bq)
    disc = jnp.maximum(aq * aq + 2.0 * b_safe * (aq + b_safe / 2.0 - tq), 0.0)
    sdisc = jnp.max(jnp.sqrt(jnp.full((8, 128), disc, jnp.float32)))
    q_quad = (sdisc - aq) / b_safe
    q_lin = 1.0 - tq / aq
    q = jnp.clip(jnp.where(small_b, q_lin, q_quad), 0.0, 1.0)
    iu = aq * (1.0 - q * q) / 2.0 + bq * (1.0 - q * q * q) / 3.0
    top_r = c_b * width * iu + r * lo_f
    out_ref[0, 0] = (sum_above + top_r) / kf


def _select(cnt0m, sm0m, cnt1, sm1):
    spec3 = pl.BlockSpec((NWORKERS, TROWS, 128), lambda: (0, 0, 0))
    spec2 = pl.BlockSpec((TROWS, 128), lambda: (0, 0))
    return pl.pallas_call(
        _select_body,
        in_specs=[spec2, spec2, spec3, spec3],
        out_specs=pl.BlockSpec(memory_space=pltpu.SMEM),
        out_shape=jax.ShapeDtypeStruct((1, 1), jnp.float32),
    )(cnt0m, sm0m, cnt1, sm1)


def kernel(inputs, targets):
    sc_hist = _make_sc_histograms(N0)
    losses0 = _pixel_losses(inputs, targets, 0, SPLIT)
    cnt0, sm0 = sc_hist(losses0.reshape(N0))
    losses1 = _pixel_losses(inputs, targets, SPLIT, B - SPLIT, rows=128)
    if N1 == N0:
        cnt1, sm1 = sc_hist(losses1.reshape(N1))
    else:
        cnt1, sm1 = _make_sc_histograms(N1)(losses1.reshape(N1))
    cnt0m, sm0m = _premerge(cnt0, sm0)
    out = _select(cnt0m, sm0m, cnt1, sm1)
    return out[0, 0]

# --- scband reference (transcript-rebuilt; emitter-appended) ---
"""Pipeline reference for scband-ohemcross-entropy-loss-1649267441779 (READ-ONLY COPY).

The authoritative reference and input builder live on the scoring server;
editing this copy changes nothing except your own understanding.
"""

import jax, jax.numpy as jnp
import numpy as np

THRESH = 0.7
MIN_KEPT = 100000
IGNORE_INDEX = 255


def setup_inputs(seed: int = 0) -> dict:
    key = jax.random.key(seed)
    k1, k2 = jax.random.split(key)
    inputs = jax.random.normal(k1, (8, 19, 512, 512), dtype=jnp.float32)
    targets = jax.random.randint(k2, (8, 512, 512), 0, 19, dtype=jnp.int32)
    return {"inputs": inputs, "targets": targets}


def reference(inputs, targets):
    # CrossEntropyLoss(ignore_index, reduction='none') on [B, C, H, W] logits
    logp = jax.nn.log_softmax(inputs, axis=1)
    nll = -jnp.take_along_axis(logp, targets[:, None, :, :].astype(jnp.int32), axis=1)[:, 0]
    pixel_losses = jnp.where(targets == IGNORE_INDEX, 0.0, nll).reshape(-1)
    top_k = min(MIN_KEPT, pixel_losses.shape[0])
    loss_val, _ = jax.lax.top_k(pixel_losses, top_k)
    return jnp.mean(loss_val)

if __name__ == "__main__":
    import jax
    _d = setup_inputs()
    print(jax.jit(kernel)(*tuple(_d.values())))

</pallas_src>

<mosaic_0001>
#map = affine_map<(d0, d1) -> (0)>
#map1 = affine_map<(d0, d1) -> (0, 0, 0)>
module attributes {stable_mosaic.version = 14 : i64} {
  func.func @_sc_hist_body(%arg0: i32, %arg1: i32, %arg2: memref<524288xf32, #tpu.memory_space<hbm>>, %arg3: memref<32x128x128xf32, #tpu.memory_space<hbm>>, %arg4: memref<32x128x128xf32, #tpu.memory_space<hbm>>, %arg5: memref<8192xf32, #tpu.memory_space<vmem>>, %arg6: memref<8192xf32, #tpu.memory_space<vmem>>, %arg7: memref<128x128xf32, #tpu.memory_space<vmem>>, %arg8: memref<128x128xf32, #tpu.memory_space<vmem>>, %arg9: memref<!tpu.dma_semaphore, #tpu.memory_space<semaphore_mem>>, %arg10: memref<!tpu.dma_semaphore, #tpu.memory_space<semaphore_mem>>) attributes {dimension_semantics = [#tpu.dimension_semantics<core_parallel>, #tpu.dimension_semantics<subcore_parallel>], iteration_bounds = array<i64: 2, 16>, scalar_prefetch = 0 : i64, scratch_operands = 6 : i64, tpu.core_type = #tpu.core_type<sc_vector_subcore>, window_params = [{transform_indices = #map}, {transform_indices = #map1}, {transform_indices = #map1}]} {
    %mul3A = arith.constant 2 : i32
    %mul3A_0 = arith.muli %arg1, %mul3A : i32
    %add3A = arith.addi %mul3A_0, %arg0 : i32
    %mul3A_1 = arith.constant 16384 : i32
    %mul3A_2 = arith.muli %add3A, %mul3A_1 : i32
    %iota3A = tpu.iota {dimensions = array<i32: 0>} : vector<16xi32>
    %broadcast_in_dim3A = arith.constant 1.000000e+00 : f32
    %broadcast_in_dim3A_3 = vector.broadcast %broadcast_in_dim3A : f32 to vector<16xf32>
    %broadcast_in_dim3A_4 = arith.constant 0.000000e+00 : f32
    %broadcast_in_dim3A_5 = vector.broadcast %broadcast_in_dim3A_4 : f32 to vector<16xf32>
    %dma_start3A = tpu.memref_slice %arg2[%mul3A_2] : memref<524288xf32, #tpu.memory_space<hbm>> -> memref<8192xf32, #tpu.memory_space<hbm>>
    %dma_start3A_6 = tpu.memref_slice %arg2[%mul3A_2] : memref<524288xf32, #tpu.memory_space<hbm>> -> memref<8192xf32, #tpu.memory_space<hbm>>
    tpu.enqueue_dma source(%dma_start3A_6 : memref<8192xf32, #tpu.memory_space<hbm>>) target(%arg5 : memref<8192xf32, #tpu.memory_space<vmem>>) target_semaphore(%arg9 : memref<!tpu.dma_semaphore, #tpu.memory_space<semaphore_mem>>)
    %parallel_loop3A = arith.constant 0 : i32
    %parallel_loop3A_7 = arith.constant 1024 : i32
    %parallel_loop3A_8 = arith.constant 1 : i32
    scf.for %parallel_loop3A_22 = %parallel_loop3A to %parallel_loop3A_7 step %parallel_loop3A_8  : i32 {
      %parallel_loop3A_23 = arith.constant 3 : i32
      %parallel_loop3A_24 = arith.shrui %parallel_loop3A_22, %parallel_loop3A_23 : i32
      %parallel_loop3A_25 = arith.constant 7 : i32
      %parallel_loop3A_26 = arith.andi %parallel_loop3A_22, %parallel_loop3A_25 : i32
      %parallel_loop3A_27 = arith.constant 16 : i32
      %parallel_loop3A_28 = arith.muli %parallel_loop3A_26, %parallel_loop3A_27 : i32
      %parallel_loop3A_29 = arith.index_cast %parallel_loop3A_24 : i32 to index
      %parallel_loop3A_30 = arith.index_cast %parallel_loop3A_28 : i32 to index
      %parallel_loop3A_31 = tpu.vector_load %arg7[%parallel_loop3A_29, %parallel_loop3A_30] {strides = array<i32>} : memref<128x128xf32, #tpu.memory_space<vmem>>, vector<16xf32>,
      tpu.vector_store %arg7[%parallel_loop3A_29, %parallel_loop3A_30], %broadcast_in_dim3A_5 {strides = array<i32>} : memref<128x128xf32, #tpu.memory_space<vmem>>, vector<16xf32>,
      %parallel_loop3A_32 = arith.index_cast %parallel_loop3A_24 : i32 to index
      %parallel_loop3A_33 = arith.index_cast %parallel_loop3A_28 : i32 to index
      %parallel_loop3A_34 = tpu.vector_load %arg8[%parallel_loop3A_32, %parallel_loop3A_33] {strides = array<i32>} : memref<128x128xf32, #tpu.memory_space<vmem>>, vector<16xf32>,
      tpu.vector_store %arg8[%parallel_loop3A_32, %parallel_loop3A_33], %broadcast_in_dim3A_5 {strides = array<i32>} : memref<128x128xf32, #tpu.memory_space<vmem>>, vector<16xf32>,
    } {sc.loop_unroll_factor = 8 : i64, sc.parallel_access}
    %add3A_9 = arith.constant 8192 : i32
    %add3A_10 = arith.addi %mul3A_2, %add3A_9 : i32
    %dma_start3A_11 = tpu.memref_slice %arg2[%add3A_10] : memref<524288xf32, #tpu.memory_space<hbm>> -> memref<8192xf32, #tpu.memory_space<hbm>>
    %dma_start3A_12 = tpu.memref_slice %arg2[%add3A_10] : memref<524288xf32, #tpu.memory_space<hbm>> -> memref<8192xf32, #tpu.memory_space<hbm>>
    tpu.enqueue_dma source(%dma_start3A_12 : memref<8192xf32, #tpu.memory_space<hbm>>) target(%arg6 : memref<8192xf32, #tpu.memory_space<vmem>>) target_semaphore(%arg10 : memref<!tpu.dma_semaphore, #tpu.memory_space<semaphore_mem>>)
    %dma_wait3A = tpu.memref_slice %arg2[%mul3A_2] : memref<524288xf32, #tpu.memory_space<hbm>> -> memref<8192xf32, #tpu.memory_space<hbm>>
    %dma_wait3A_13 = tpu.memref_slice %arg2[%mul3A_2] : memref<524288xf32, #tpu.memory_space<hbm>> -> memref<8192xf32, #tpu.memory_space<hbm>>
    tpu.wait_dma2 semaphore(%arg9 : memref<!tpu.dma_semaphore, #tpu.memory_space<semaphore_mem>>) src(%dma_wait3A_13 : memref<8192xf32, #tpu.memory_space<hbm>>) dst(%arg5 : memref<8192xf32, #tpu.memory_space<vmem>>)
    %parallel_loop3A_14 = arith.constant 0 : i32
    %parallel_loop3A_15 = arith.constant 512 : i32
    %parallel_loop3A_16 = arith.constant 1 : i32
    scf.for %parallel_loop3A_22 = %parallel_loop3A_14 to %parallel_loop3A_15 step %parallel_loop3A_16  : i32 {
      %parallel_loop3A_23 = arith.constant 16 : i32
      %parallel_loop3A_24 = arith.muli %parallel_loop3A_22, %parallel_loop3A_23 : i32
      %parallel_loop3A_25 = arith.index_cast %parallel_loop3A_24 : i32 to index
      %parallel_loop3A_26 = tpu.vector_load %arg5[%parallel_loop3A_25] {strides = array<i32>} : memref<8192xf32, #tpu.memory_space<vmem>>, vector<16xf32>,
      %parallel_loop3A_27 = vector.bitcast %parallel_loop3A_26 : vector<16xf32> to vector<16xi32>
      %parallel_loop3A_28 = arith.constant 21 : i32
      %parallel_loop3A_29 = vector.broadcast %parallel_loop3A_28 : i32 to vector<16xi32>
      %parallel_loop3A_30 = arith.shrui %parallel_loop3A_27, %parallel_loop3A_29 : vector<16xi32>
      %parallel_loop3A_31 = arith.constant 16 : i32
      %parallel_loop3A_32 = vector.broadcast %parallel_loop3A_31 : i32 to vector<16xi32>
      %parallel_loop3A_33 = arith.muli %parallel_loop3A_30, %parallel_loop3A_32 : vector<16xi32>
      %parallel_loop3A_34 = arith.addi %parallel_loop3A_33, %iota3A : vector<16xi32>
      %parallel_loop3A_35 = arith.constant 7 : i32
      %parallel_loop3A_36 = vector.broadcast %parallel_loop3A_35 : i32 to vector<16xi32>
      %parallel_loop3A_37 = arith.shrui %parallel_loop3A_34, %parallel_loop3A_36 : vector<16xi32>
      %parallel_loop3A_38 = arith.constant 127 : i32
      %parallel_loop3A_39 = vector.broadcast %parallel_loop3A_38 : i32 to vector<16xi32>
      %parallel_loop3A_40 = arith.andi %parallel_loop3A_34, %parallel_loop3A_39 : vector<16xi32>
      tpu.vector_store_idx %arg7[%parallel_loop3A_37, %parallel_loop3A_40], %broadcast_in_dim3A_3 {add = true} : memref<128x128xf32, #tpu.memory_space<vmem>>[vector<16xi32>, vector<16xi32>], vector<16xf32>,
      tpu.vector_store_idx %arg8[%parallel_loop3A_37, %parallel_loop3A_40], %parallel_loop3A_26 {add = true} : memref<128x128xf32, #tpu.memory_space<vmem>>[vector<16xi32>, vector<16xi32>], vector<16xf32>,
    } {sc.loop_unroll_factor = 8 : i64, sc.parallel_access}
    %dma_wait3A_17 = tpu.memref_slice %arg2[%add3A_10] : memref<524288xf32, #tpu.memory_space<hbm>> -> memref<8192xf32, #tpu.memory_space<hbm>>
    %dma_wait3A_18 = tpu.memref_slice %arg2[%add3A_10] : memref<524288xf32, #tpu.memory_space<hbm>> -> memref<8192xf32, #tpu.memory_space<hbm>>
    tpu.wait_dma2 semaphore(%arg10 : memref<!tpu.dma_semaphore, #tpu.memory_space<semaphore_mem>>) src(%dma_wait3A_18 : memref<8192xf32, #tpu.memory_space<hbm>>) dst(%arg6 : memref<8192xf32, #tpu.memory_space<vmem>>)
    %parallel_loop3A_19 = arith.constant 0 : i32
    %parallel_loop3A_20 = arith.constant 512 : i32
    %parallel_loop3A_21 = arith.constant 1 : i32
    scf.for %parallel_loop3A_22 = %parallel_loop3A_19 to %parallel_loop3A_20 step %parallel_loop3A_21  : i32 {
      %parallel_loop3A_23 = arith.constant 16 : i32
      %parallel_loop3A_24 = arith.muli %parallel_loop3A_22, %parallel_loop3A_23 : i32
      %parallel_loop3A_25 = arith.index_cast %parallel_loop3A_24 : i32 to index
      %parallel_loop3A_26 = tpu.vector_load %arg6[%parallel_loop3A_25] {strides = array<i32>} : memref<8192xf32, #tpu.memory_space<vmem>>, vector<16xf32>,
      %parallel_loop3A_27 = vector.bitcast %parallel_loop3A_26 : vector<16xf32> to vector<16xi32>
      %parallel_loop3A_28 = arith.constant 21 : i32
      %parallel_loop3A_29 = vector.broadcast %parallel_loop3A_28 : i32 to vector<16xi32>
      %parallel_loop3A_30 = arith.shrui %parallel_loop3A_27, %parallel_loop3A_29 : vector<16xi32>
      %parallel_loop3A_31 = arith.constant 16 : i32
      %parallel_loop3A_32 = vector.broadcast %parallel_loop3A_31 : i32 to vector<16xi32>
      %parallel_loop3A_33 = arith.muli %parallel_loop3A_30, %parallel_loop3A_32 : vector<16xi32>
      %parallel_loop3A_34 = arith.addi %parallel_loop3A_33, %iota3A : vector<16xi32>
      %parallel_loop3A_35 = arith.constant 7 : i32
      %parallel_loop3A_36 = vector.broadcast %parallel_loop3A_35 : i32 to vector<16xi32>
      %parallel_loop3A_37 = arith.shrui %parallel_loop3A_34, %parallel_loop3A_36 : vector<16xi32>
      %parallel_loop3A_38 = arith.constant 127 : i32
      %parallel_loop3A_39 = vector.broadcast %parallel_loop3A_38 : i32 to vector<16xi32>
      %parallel_loop3A_40 = arith.andi %parallel_loop3A_34, %parallel_loop3A_39 : vector<16xi32>
      tpu.vector_store_idx %arg7[%parallel_loop3A_37, %parallel_loop3A_40], %broadcast_in_dim3A_3 {add = true} : memref<128x128xf32, #tpu.memory_space<vmem>>[vector<16xi32>, vector<16xi32>], vector<16xf32>,
      tpu.vector_store_idx %arg8[%parallel_loop3A_37, %parallel_loop3A_40], %parallel_loop3A_26 {add = true} : memref<128x128xf32, #tpu.memory_space<vmem>>[vector<16xi32>, vector<16xi32>], vector<16xf32>,
    } {sc.loop_unroll_factor = 8 : i64, sc.parallel_access}
    "tpu.region"() ({
      %run_scoped3A = tpu.sem_alloc : memref<!tpu.dma_semaphore, #tpu.memory_space<semaphore_mem>>
      %dma_start3A_22 = arith.constant 0 : i32
      %dma_start3A_23 = arith.constant 0 : i32
      %dma_start3A_24 = tpu.memref_slice %arg3[%add3A, %dma_start3A_22, %dma_start3A_23] : memref<32x128x128xf32, #tpu.memory_space<hbm>> -> memref<1x128x128xf32, #tpu.memory_space<hbm>>
      %dma_start3A_25 = tpu.memref_squeeze %dma_start3A_24 : memref<1x128x128xf32, #tpu.memory_space<hbm>> -> memref<128x128xf32, #tpu.memory_space<hbm>>
      %dma_start3A_26 = arith.constant 0 : i32
      %dma_start3A_27 = arith.constant 0 : i32
      %dma_start3A_28 = tpu.memref_slice %arg3[%add3A, %dma_start3A_26, %dma_start3A_27] : memref<32x128x128xf32, #tpu.memory_space<hbm>> -> memref<1x128x128xf32, #tpu.memory_space<hbm>>
      %dma_start3A_29 = tpu.memref_squeeze %dma_start3A_28 : memref<1x128x128xf32, #tpu.memory_space<hbm>> -> memref<128x128xf32, #tpu.memory_space<hbm>>
      tpu.enqueue_dma source(%arg7 : memref<128x128xf32, #tpu.memory_space<vmem>>) target(%dma_start3A_29 : memref<128x128xf32, #tpu.memory_space<hbm>>) target_semaphore(%run_scoped3A : memref<!tpu.dma_semaphore, #tpu.memory_space<semaphore_mem>>)
      %dma_wait3A_30 = arith.constant 0 : i32
      %dma_wait3A_31 = arith.constant 0 : i32
      %dma_wait3A_32 = tpu.memref_slice %arg3[%add3A, %dma_wait3A_30, %dma_wait3A_31] : memref<32x128x128xf32, #tpu.memory_space<hbm>> -> memref<1x128x128xf32, #tpu.memory_space<hbm>>
      %dma_wait3A_33 = tpu.memref_squeeze %dma_wait3A_32 : memref<1x128x128xf32, #tpu.memory_space<hbm>> -> memref<128x128xf32, #tpu.memory_space<hbm>>
      %dma_wait3A_34 = arith.constant 0 : i32
      %dma_wait3A_35 = arith.constant 0 : i32
      %dma_wait3A_36 = tpu.memref_slice %arg3[%add3A, %dma_wait3A_34, %dma_wait3A_35] : memref<32x128x128xf32, #tpu.memory_space<hbm>> -> memref<1x128x128xf32, #tpu.memory_space<hbm>>
      %dma_wait3A_37 = tpu.memref_squeeze %dma_wait3A_36 : memref<1x128x128xf32, #tpu.memory_space<hbm>> -> memref<128x128xf32, #tpu.memory_space<hbm>>
      tpu.wait_dma2 semaphore(%run_scoped3A : memref<!tpu.dma_semaphore, #tpu.memory_space<semaphore_mem>>) src(%arg7 : memref<128x128xf32, #tpu.memory_space<vmem>>) dst(%dma_wait3A_37 : memref<128x128xf32, #tpu.memory_space<hbm>>)
      tpu.yield
    }) : () -> ()
    "tpu.region"() ({
      %run_scoped3A = tpu.sem_alloc : memref<!tpu.dma_semaphore, #tpu.memory_space<semaphore_mem>>
      %dma_start3A_22 = arith.constant 0 : i32
      %dma_start3A_23 = arith.constant 0 : i32
      %dma_start3A_24 = tpu.memref_slice %arg4[%add3A, %dma_start3A_22, %dma_start3A_23] : memref<32x128x128xf32, #tpu.memory_space<hbm>> -> memref<1x128x128xf32, #tpu.memory_space<hbm>>
      %dma_start3A_25 = tpu.memref_squeeze %dma_start3A_24 : memref<1x128x128xf32, #tpu.memory_space<hbm>> -> memref<128x128xf32, #tpu.memory_space<hbm>>
      %dma_start3A_26 = arith.constant 0 : i32
      %dma_start3A_27 = arith.constant 0 : i32
      %dma_start3A_28 = tpu.memref_slice %arg4[%add3A, %dma_start3A_26, %dma_start3A_27] : memref<32x128x128xf32, #tpu.memory_space<hbm>> -> memref<1x128x128xf32, #tpu.memory_space<hbm>>
      %dma_start3A_29 = tpu.memref_squeeze %dma_start3A_28 : memref<1x128x128xf32, #tpu.memory_space<hbm>> -> memref<128x128xf32, #tpu.memory_space<hbm>>
      tpu.enqueue_dma source(%arg8 : memref<128x128xf32, #tpu.memory_space<vmem>>) target(%dma_start3A_29 : memref<128x128xf32, #tpu.memory_space<hbm>>) target_semaphore(%run_scoped3A : memref<!tpu.dma_semaphore, #tpu.memory_space<semaphore_mem>>)
      %dma_wait3A_30 = arith.constant 0 : i32
      %dma_wait3A_31 = arith.constant 0 : i32
      %dma_wait3A_32 = tpu.memref_slice %arg4[%add3A, %dma_wait3A_30, %dma_wait3A_31] : memref<32x128x128xf32, #tpu.memory_space<hbm>> -> memref<1x128x128xf32, #tpu.memory_space<hbm>>
      %dma_wait3A_33 = tpu.memref_squeeze %dma_wait3A_32 : memref<1x128x128xf32, #tpu.memory_space<hbm>> -> memref<128x128xf32, #tpu.memory_space<hbm>>
      %dma_wait3A_34 = arith.constant 0 : i32
      %dma_wait3A_35 = arith.constant 0 : i32
      %dma_wait3A_36 = tpu.memref_slice %arg4[%add3A, %dma_wait3A_34, %dma_wait3A_35] : memref<32x128x128xf32, #tpu.memory_space<hbm>> -> memref<1x128x128xf32, #tpu.memory_space<hbm>>
      %dma_wait3A_37 = tpu.memref_squeeze %dma_wait3A_36 : memref<1x128x128xf32, #tpu.memory_space<hbm>> -> memref<128x128xf32, #tpu.memory_space<hbm>>
      tpu.wait_dma2 semaphore(%run_scoped3A : memref<!tpu.dma_semaphore, #tpu.memory_space<semaphore_mem>>) src(%arg8 : memref<128x128xf32, #tpu.memory_space<vmem>>) dst(%dma_wait3A_37 : memref<128x128xf32, #tpu.memory_space<hbm>>)
      tpu.yield
    }) : () -> ()
    return
  }
}

#map = affine_map<(d0, d1) -> (0)>
#map1 = affine_map<(d0, d1) -> (0, 0, 0)>
module attributes {stable_mosaic.version = 14 : i64} {
  func.func @_sc_hist_body(%arg0: i32, %arg1: i32, %arg2: memref<1572864xf32, #tpu.memory_space<hbm>>, %arg3: memref<32x128x128xf32, #tpu.memory_space<hbm>>, %arg4: memref<32x128x128xf32, #tpu.memory_space<hbm>>, %arg5: memref<24576xf32, #tpu.memory_space<vmem>>, %arg6: memref<24576xf32, #tpu.memory_space<vmem>>, %arg7: memref<128x128xf32, #tpu.memory_space<vmem>>, %arg8: memref<128x128xf32, #tpu.memory_space<vmem>>, %arg9: memref<!tpu.dma_semaphore, #tpu.memory_space<semaphore_mem>>, %arg10: memref<!tpu.dma_semaphore, #tpu.memory_space<semaphore_mem>>) attributes {dimension_semantics = [#tpu.dimension_semantics<core_parallel>, #tpu.dimension_semantics<subcore_parallel>], iteration_bounds = array<i64: 2, 16>, scalar_prefetch = 0 : i64, scratch_operands = 6 : i64, tpu.core_type = #tpu.core_type<sc_vector_subcore>, window_params = [{transform_indices = #map}, {transform_indices = #map1}, {transform_indices = #map1}]} {
    %mul3A = arith.constant 2 : i32
    %mul3A_0 = arith.muli %arg1, %mul3A : i32
    %add3A = arith.addi %mul3A_0, %arg0 : i32
    %mul3A_1 = arith.constant 49152 : i32
    %mul3A_2 = arith.muli %add3A, %mul3A_1 : i32
    %iota3A = tpu.iota {dimensions = array<i32: 0>} : vector<16xi32>
    %broadcast_in_dim3A = arith.constant 1.000000e+00 : f32
    %broadcast_in_dim3A_3 = vector.broadcast %broadcast_in_dim3A : f32 to vector<16xf32>
    %broadcast_in_dim3A_4 = arith.constant 0.000000e+00 : f32
    %broadcast_in_dim3A_5 = vector.broadcast %broadcast_in_dim3A_4 : f32 to vector<16xf32>
    %dma_start3A = tpu.memref_slice %arg2[%mul3A_2] : memref<1572864xf32, #tpu.memory_space<hbm>> -> memref<24576xf32, #tpu.memory_space<hbm>>
    %dma_start3A_6 = tpu.memref_slice %arg2[%mul3A_2] : memref<1572864xf32, #tpu.memory_space<hbm>> -> memref<24576xf32, #tpu.memory_space<hbm>>
    tpu.enqueue_dma source(%dma_start3A_6 : memref<24576xf32, #tpu.memory_space<hbm>>) target(%arg5 : memref<24576xf32, #tpu.memory_space<vmem>>) target_semaphore(%arg9 : memref<!tpu.dma_semaphore, #tpu.memory_space<semaphore_mem>>)
    %parallel_loop3A = arith.constant 0 : i32
    %parallel_loop3A_7 = arith.constant 1024 : i32
    %parallel_loop3A_8 = arith.constant 1 : i32
    scf.for %parallel_loop3A_22 = %parallel_loop3A to %parallel_loop3A_7 step %parallel_loop3A_8  : i32 {
      %parallel_loop3A_23 = arith.constant 3 : i32
      %parallel_loop3A_24 = arith.shrui %parallel_loop3A_22, %parallel_loop3A_23 : i32
      %parallel_loop3A_25 = arith.constant 7 : i32
      %parallel_loop3A_26 = arith.andi %parallel_loop3A_22, %parallel_loop3A_25 : i32
      %parallel_loop3A_27 = arith.constant 16 : i32
      %parallel_loop3A_28 = arith.muli %parallel_loop3A_26, %parallel_loop3A_27 : i32
      %parallel_loop3A_29 = arith.index_cast %parallel_loop3A_24 : i32 to index
      %parallel_loop3A_30 = arith.index_cast %parallel_loop3A_28 : i32 to index
      %parallel_loop3A_31 = tpu.vector_load %arg7[%parallel_loop3A_29, %parallel_loop3A_30] {strides = array<i32>} : memref<128x128xf32, #tpu.memory_space<vmem>>, vector<16xf32>,
      tpu.vector_store %arg7[%parallel_loop3A_29, %parallel_loop3A_30], %broadcast_in_dim3A_5 {strides = array<i32>} : memref<128x128xf32, #tpu.memory_space<vmem>>, vector<16xf32>,
      %parallel_loop3A_32 = arith.index_cast %parallel_loop3A_24 : i32 to index
      %parallel_loop3A_33 = arith.index_cast %parallel_loop3A_28 : i32 to index
      %parallel_loop3A_34 = tpu.vector_load %arg8[%parallel_loop3A_32, %parallel_loop3A_33] {strides = array<i32>} : memref<128x128xf32, #tpu.memory_space<vmem>>, vector<16xf32>,
      tpu.vector_store %arg8[%parallel_loop3A_32, %parallel_loop3A_33], %broadcast_in_dim3A_5 {strides = array<i32>} : memref<128x128xf32, #tpu.memory_space<vmem>>, vector<16xf32>,
    } {sc.loop_unroll_factor = 8 : i64, sc.parallel_access}
    %add3A_9 = arith.constant 24576 : i32
    %add3A_10 = arith.addi %mul3A_2, %add3A_9 : i32
    %dma_start3A_11 = tpu.memref_slice %arg2[%add3A_10] : memref<1572864xf32, #tpu.memory_space<hbm>> -> memref<24576xf32, #tpu.memory_space<hbm>>
    %dma_start3A_12 = tpu.memref_slice %arg2[%add3A_10] : memref<1572864xf32, #tpu.memory_space<hbm>> -> memref<24576xf32, #tpu.memory_space<hbm>>
    tpu.enqueue_dma source(%dma_start3A_12 : memref<24576xf32, #tpu.memory_space<hbm>>) target(%arg6 : memref<24576xf32, #tpu.memory_space<vmem>>) target_semaphore(%arg10 : memref<!tpu.dma_semaphore, #tpu.memory_space<semaphore_mem>>)
    %dma_wait3A = tpu.memref_slice %arg2[%mul3A_2] : memref<1572864xf32, #tpu.memory_space<hbm>> -> memref<24576xf32, #tpu.memory_space<hbm>>
    %dma_wait3A_13 = tpu.memref_slice %arg2[%mul3A_2] : memref<1572864xf32, #tpu.memory_space<hbm>> -> memref<24576xf32, #tpu.memory_space<hbm>>
    tpu.wait_dma2 semaphore(%arg9 : memref<!tpu.dma_semaphore, #tpu.memory_space<semaphore_mem>>) src(%dma_wait3A_13 : memref<24576xf32, #tpu.memory_space<hbm>>) dst(%arg5 : memref<24576xf32, #tpu.memory_space<vmem>>)
    %parallel_loop3A_14 = arith.constant 0 : i32
    %parallel_loop3A_15 = arith.constant 1536 : i32
    %parallel_loop3A_16 = arith.constant 1 : i32
    scf.for %parallel_loop3A_22 = %parallel_loop3A_14 to %parallel_loop3A_15 step %parallel_loop3A_16  : i32 {
      %parallel_loop3A_23 = arith.constant 16 : i32
      %parallel_loop3A_24 = arith.muli %parallel_loop3A_22, %parallel_loop3A_23 : i32
      %parallel_loop3A_25 = arith.index_cast %parallel_loop3A_24 : i32 to index
      %parallel_loop3A_26 = tpu.vector_load %arg5[%parallel_loop3A_25] {strides = array<i32>} : memref<24576xf32, #tpu.memory_space<vmem>>, vector<16xf32>,
      %parallel_loop3A_27 = vector.bitcast %parallel_loop3A_26 : vector<16xf32> to vector<16xi32>
      %parallel_loop3A_28 = arith.constant 21 : i32
      %parallel_loop3A_29 = vector.broadcast %parallel_loop3A_28 : i32 to vector<16xi32>
      %parallel_loop3A_30 = arith.shrui %parallel_loop3A_27, %parallel_loop3A_29 : vector<16xi32>
      %parallel_loop3A_31 = arith.constant 16 : i32
      %parallel_loop3A_32 = vector.broadcast %parallel_loop3A_31 : i32 to vector<16xi32>
      %parallel_loop3A_33 = arith.muli %parallel_loop3A_30, %parallel_loop3A_32 : vector<16xi32>
      %parallel_loop3A_34 = arith.addi %parallel_loop3A_33, %iota3A : vector<16xi32>
      %parallel_loop3A_35 = arith.constant 7 : i32
      %parallel_loop3A_36 = vector.broadcast %parallel_loop3A_35 : i32 to vector<16xi32>
      %parallel_loop3A_37 = arith.shrui %parallel_loop3A_34, %parallel_loop3A_36 : vector<16xi32>
      %parallel_loop3A_38 = arith.constant 127 : i32
      %parallel_loop3A_39 = vector.broadcast %parallel_loop3A_38 : i32 to vector<16xi32>
      %parallel_loop3A_40 = arith.andi %parallel_loop3A_34, %parallel_loop3A_39 : vector<16xi32>
      tpu.vector_store_idx %arg7[%parallel_loop3A_37, %parallel_loop3A_40], %broadcast_in_dim3A_3 {add = true} : memref<128x128xf32, #tpu.memory_space<vmem>>[vector<16xi32>, vector<16xi32>], vector<16xf32>,
      tpu.vector_store_idx %arg8[%parallel_loop3A_37, %parallel_loop3A_40], %parallel_loop3A_26 {add = true} : memref<128x128xf32, #tpu.memory_space<vmem>>[vector<16xi32>, vector<16xi32>], vector<16xf32>,
    } {sc.loop_unroll_factor = 8 : i64, sc.parallel_access}
    %dma_wait3A_17 = tpu.memref_slice %arg2[%add3A_10] : memref<1572864xf32, #tpu.memory_space<hbm>> -> memref<24576xf32, #tpu.memory_space<hbm>>
    %dma_wait3A_18 = tpu.memref_slice %arg2[%add3A_10] : memref<1572864xf32, #tpu.memory_space<hbm>> -> memref<24576xf32, #tpu.memory_space<hbm>>
    tpu.wait_dma2 semaphore(%arg10 : memref<!tpu.dma_semaphore, #tpu.memory_space<semaphore_mem>>) src(%dma_wait3A_18 : memref<24576xf32, #tpu.memory_space<hbm>>) dst(%arg6 : memref<24576xf32, #tpu.memory_space<vmem>>)
    %parallel_loop3A_19 = arith.constant 0 : i32
    %parallel_loop3A_20 = arith.constant 1536 : i32
    %parallel_loop3A_21 = arith.constant 1 : i32
    scf.for %parallel_loop3A_22 = %parallel_loop3A_19 to %parallel_loop3A_20 step %parallel_loop3A_21  : i32 {
      %parallel_loop3A_23 = arith.constant 16 : i32
      %parallel_loop3A_24 = arith.muli %parallel_loop3A_22, %parallel_loop3A_23 : i32
      %parallel_loop3A_25 = arith.index_cast %parallel_loop3A_24 : i32 to index
      %parallel_loop3A_26 = tpu.vector_load %arg6[%parallel_loop3A_25] {strides = array<i32>} : memref<24576xf32, #tpu.memory_space<vmem>>, vector<16xf32>,
      %parallel_loop3A_27 = vector.bitcast %parallel_loop3A_26 : vector<16xf32> to vector<16xi32>
      %parallel_loop3A_28 = arith.constant 21 : i32
      %parallel_loop3A_29 = vector.broadcast %parallel_loop3A_28 : i32 to vector<16xi32>
      %parallel_loop3A_30 = arith.shrui %parallel_loop3A_27, %parallel_loop3A_29 : vector<16xi32>
      %parallel_loop3A_31 = arith.constant 16 : i32
      %parallel_loop3A_32 = vector.broadcast %parallel_loop3A_31 : i32 to vector<16xi32>
      %parallel_loop3A_33 = arith.muli %parallel_loop3A_30, %parallel_loop3A_32 : vector<16xi32>
      %parallel_loop3A_34 = arith.addi %parallel_loop3A_33, %iota3A : vector<16xi32>
      %parallel_loop3A_35 = arith.constant 7 : i32
      %parallel_loop3A_36 = vector.broadcast %parallel_loop3A_35 : i32 to vector<16xi32>
      %parallel_loop3A_37 = arith.shrui %parallel_loop3A_34, %parallel_loop3A_36 : vector<16xi32>
      %parallel_loop3A_38 = arith.constant 127 : i32
      %parallel_loop3A_39 = vector.broadcast %parallel_loop3A_38 : i32 to vector<16xi32>
      %parallel_loop3A_40 = arith.andi %parallel_loop3A_34, %parallel_loop3A_39 : vector<16xi32>
      tpu.vector_store_idx %arg7[%parallel_loop3A_37, %parallel_loop3A_40], %broadcast_in_dim3A_3 {add = true} : memref<128x128xf32, #tpu.memory_space<vmem>>[vector<16xi32>, vector<16xi32>], vector<16xf32>,
      tpu.vector_store_idx %arg8[%parallel_loop3A_37, %parallel_loop3A_40], %parallel_loop3A_26 {add = true} : memref<128x128xf32, #tpu.memory_space<vmem>>[vector<16xi32>, vector<16xi32>], vector<16xf32>,
    } {sc.loop_unroll_factor = 8 : i64, sc.parallel_access}
    "tpu.region"() ({
      %run_scoped3A = tpu.sem_alloc : memref<!tpu.dma_semaphore, #tpu.memory_space<semaphore_mem>>
      %dma_start3A_22 = arith.constant 0 : i32
      %dma_start3A_23 = arith.constant 0 : i32
      %dma_start3A_24 = tpu.memref_slice %arg3[%add3A, %dma_start3A_22, %dma_start3A_23] : memref<32x128x128xf32, #tpu.memory_space<hbm>> -> memref<1x128x128xf32, #tpu.memory_space<hbm>>
      %dma_start3A_25 = tpu.memref_squeeze %dma_start3A_24 : memref<1x128x128xf32, #tpu.memory_space<hbm>> -> memref<128x128xf32, #tpu.memory_space<hbm>>
      %dma_start3A_26 = arith.constant 0 : i32
      %dma_start3A_27 = arith.constant 0 : i32
      %dma_start3A_28 = tpu.memref_slice %arg3[%add3A, %dma_start3A_26, %dma_start3A_27] : memref<32x128x128xf32, #tpu.memory_space<hbm>> -> memref<1x128x128xf32, #tpu.memory_space<hbm>>
      %dma_start3A_29 = tpu.memref_squeeze %dma_start3A_28 : memref<1x128x128xf32, #tpu.memory_space<hbm>> -> memref<128x128xf32, #tpu.memory_space<hbm>>
      tpu.enqueue_dma source(%arg7 : memref<128x128xf32, #tpu.memory_space<vmem>>) target(%dma_start3A_29 : memref<128x128xf32, #tpu.memory_space<hbm>>) target_semaphore(%run_scoped3A : memref<!tpu.dma_semaphore, #tpu.memory_space<semaphore_mem>>)
      %dma_wait3A_30 = arith.constant 0 : i32
      %dma_wait3A_31 = arith.constant 0 : i32
      %dma_wait3A_32 = tpu.memref_slice %arg3[%add3A, %dma_wait3A_30, %dma_wait3A_31] : memref<32x128x128xf32, #tpu.memory_space<hbm>> -> memref<1x128x128xf32, #tpu.memory_space<hbm>>
      %dma_wait3A_33 = tpu.memref_squeeze %dma_wait3A_32 : memref<1x128x128xf32, #tpu.memory_space<hbm>> -> memref<128x128xf32, #tpu.memory_space<hbm>>
      %dma_wait3A_34 = arith.constant 0 : i32
      %dma_wait3A_35 = arith.constant 0 : i32
      %dma_wait3A_36 = tpu.memref_slice %arg3[%add3A, %dma_wait3A_34, %dma_wait3A_35] : memref<32x128x128xf32, #tpu.memory_space<hbm>> -> memref<1x128x128xf32, #tpu.memory_space<hbm>>
      %dma_wait3A_37 = tpu.memref_squeeze %dma_wait3A_36 : memref<1x128x128xf32, #tpu.memory_space<hbm>> -> memref<128x128xf32, #tpu.memory_space<hbm>>
      tpu.wait_dma2 semaphore(%run_scoped3A : memref<!tpu.dma_semaphore, #tpu.memory_space<semaphore_mem>>) src(%arg7 : memref<128x128xf32, #tpu.memory_space<vmem>>) dst(%dma_wait3A_37 : memref<128x128xf32, #tpu.memory_space<hbm>>)
      tpu.yield
    }) : () -> ()
    "tpu.region"() ({
      %run_scoped3A = tpu.sem_alloc : memref<!tpu.dma_semaphore, #tpu.memory_space<semaphore_mem>>
      %dma_start3A_22 = arith.constant 0 : i32
      %dma_start3A_23 = arith.constant 0 : i32
      %dma_start3A_24 = tpu.memref_slice %arg4[%add3A, %dma_start3A_22, %dma_start3A_23] : memref<32x128x128xf32, #tpu.memory_space<hbm>> -> memref<1x128x128xf32, #tpu.memory_space<hbm>>
      %dma_start3A_25 = tpu.memref_squeeze %dma_start3A_24 : memref<1x128x128xf32, #tpu.memory_space<hbm>> -> memref<128x128xf32, #tpu.memory_space<hbm>>
      %dma_start3A_26 = arith.constant 0 : i32
      %dma_start3A_27 = arith.constant 0 : i32
      %dma_start3A_28 = tpu.memref_slice %arg4[%add3A, %dma_start3A_26, %dma_start3A_27] : memref<32x128x128xf32, #tpu.memory_space<hbm>> -> memref<1x128x128xf32, #tpu.memory_space<hbm>>
      %dma_start3A_29 = tpu.memref_squeeze %dma_start3A_28 : memref<1x128x128xf32, #tpu.memory_space<hbm>> -> memref<128x128xf32, #tpu.memory_space<hbm>>
      tpu.enqueue_dma source(%arg8 : memref<128x128xf32, #tpu.memory_space<vmem>>) target(%dma_start3A_29 : memref<128x128xf32, #tpu.memory_space<hbm>>) target_semaphore(%run_scoped3A : memref<!tpu.dma_semaphore, #tpu.memory_space<semaphore_mem>>)
      %dma_wait3A_30 = arith.constant 0 : i32
      %dma_wait3A_31 = arith.constant 0 : i32
      %dma_wait3A_32 = tpu.memref_slice %arg4[%add3A, %dma_wait3A_30, %dma_wait3A_31] : memref<32x128x128xf32, #tpu.memory_space<hbm>> -> memref<1x128x128xf32, #tpu.memory_space<hbm>>
      %dma_wait3A_33 = tpu.memref_squeeze %dma_wait3A_32 : memref<1x128x128xf32, #tpu.memory_space<hbm>> -> memref<128x128xf32, #tpu.memory_space<hbm>>
      %dma_wait3A_34 = arith.constant 0 : i32
      %dma_wait3A_35 = arith.constant 0 : i32
      %dma_wait3A_36 = tpu.memref_slice %arg4[%add3A, %dma_wait3A_34, %dma_wait3A_35] : memref<32x128x128xf32, #tpu.memory_space<hbm>> -> memref<1x128x128xf32, #tpu.memory_space<hbm>>
      %dma_wait3A_37 = tpu.memref_squeeze %dma_wait3A_36 : memref<1x128x128xf32, #tpu.memory_space<hbm>> -> memref<128x128xf32, #tpu.memory_space<hbm>>
      tpu.wait_dma2 semaphore(%run_scoped3A : memref<!tpu.dma_semaphore, #tpu.memory_space<semaphore_mem>>) src(%arg8 : memref<128x128xf32, #tpu.memory_space<vmem>>) dst(%dma_wait3A_37 : memref<128x128xf32, #tpu.memory_space<hbm>>)
      tpu.yield
    }) : () -> ()
    return
  }
}

module attributes {stable_mosaic.version = 14 : i64} {
  func.func @body(%arg0: i32, %arg1: i32, %arg2: memref<1x19x128x512xf32, #tpu.memory_space<vmem>>, %arg3: memref<1x128x512xi32, #tpu.memory_space<vmem>>, %arg4: memref<512x128xf32, #tpu.memory_space<vmem>>) attributes {dimension_semantics = [#tpu.dimension_semantics<arbitrary>, #tpu.dimension_semantics<arbitrary>], iteration_bounds = array<i64: 2, 4>, scalar_prefetch = 0 : i64, scratch_operands = 0 : i64, tpu.core_type = #tpu.core_type<tc>, window_params = [{transform_indices = @transform_0, window_bounds = array<i64: 1, 19, 128, 512>}, {transform_indices = @transform_1, window_bounds = array<i64: 1, 128, 512>}, {transform_indices = @transform_2, window_bounds = array<i64: 512, 128>}]} {
    %get3A = arith.constant 0 : index
    %get3A_0 = arith.constant 0 : index
    %get3A_1 = arith.constant 0 : index
    %get3A_2 = arith.constant 0 : index
    %get3A_3 = vector.load %arg2[%get3A, %get3A_0, %get3A_1, %get3A_2] : memref<1x19x128x512xf32, #tpu.memory_space<vmem>>, vector<1x19x128x512xf32>
    %get3A_4 = vector.shape_cast %get3A_3 : vector<1x19x128x512xf32> to vector<19x128x512xf32>
    %get3A_5 = arith.constant 0 : index
    %get3A_6 = arith.constant 0 : index
    %get3A_7 = arith.constant 0 : index
    %get3A_8 = vector.load %arg3[%get3A_5, %get3A_6, %get3A_7] : memref<1x128x512xi32, #tpu.memory_space<vmem>>, vector<1x128x512xi32>
    %get3A_9 = vector.shape_cast %get3A_8 : vector<1x128x512xi32> to vector<128x512xi32>
    %reduce_max3A = arith.constant dense<0xFF800000> : vector<128x512xf32>
    %reduce_max3A_10 = vector.multi_reduction <maximumf>, %get3A_4, %reduce_max3A [0] : vector<19x128x512xf32> to vector<128x512xf32>
    %broadcast_in_dim3A = vector.shape_cast %reduce_max3A_10 : vector<128x512xf32> to vector<1x128x512xf32>
    %sub3A = vector.broadcast %broadcast_in_dim3A : vector<1x128x512xf32> to vector<19x128x512xf32>
    %sub3A_11 = arith.subf %get3A_4, %sub3A : vector<19x128x512xf32>
    %exp3A = math.exp %sub3A_11 : vector<19x128x512xf32>
    %reduce_sum3A = arith.constant dense<0.000000e+00> : vector<128x512xf32>
    %reduce_sum3A_12 = vector.multi_reduction <add>, %exp3A, %reduce_sum3A [0] : vector<19x128x512xf32> to vector<128x512xf32>
    %broadcast_in_dim3A_13 = arith.constant 0.000000e+00 : f32
    %broadcast_in_dim3A_14 = vector.broadcast %broadcast_in_dim3A_13 : f32 to vector<128x512xf32>
    %eq3A = arith.constant 0 : i32
    %eq3A_15 = vector.broadcast %eq3A : i32 to vector<128x512xi32>
    %eq3A_16 = arith.cmpi eq, %get3A_9, %eq3A_15 : vector<128x512xi32>
    %slice3A = vector.extract_strided_slice %get3A_4 {offsets = [0, 0, 0], sizes = [1, 128, 512], strides = [1, 1, 1]} : vector<19x128x512xf32> to vector<1x128x512xf32>
    %squeeze3A = vector.shape_cast %slice3A : vector<1x128x512xf32> to vector<128x512xf32>
    %select_n3A = arith.select %eq3A_16, %squeeze3A, %broadcast_in_dim3A_14 : vector<128x512xi1>, vector<128x512xf32>
    %eq3A_17 = arith.constant 1 : i32
    %eq3A_18 = vector.broadcast %eq3A_17 : i32 to vector<128x512xi32>
    %eq3A_19 = arith.cmpi eq, %get3A_9, %eq3A_18 : vector<128x512xi32>
    %slice3A_20 = vector.extract_strided_slice %get3A_4 {offsets = [1, 0, 0], sizes = [1, 128, 512], strides = [1, 1, 1]} : vector<19x128x512xf32> to vector<1x128x512xf32>
    %squeeze3A_21 = vector.shape_cast %slice3A_20 : vector<1x128x512xf32> to vector<128x512xf32>
    %select_n3A_22 = arith.select %eq3A_19, %squeeze3A_21, %select_n3A : vector<128x512xi1>, vector<128x512xf32>
    %eq3A_23 = arith.constant 2 : i32
    %eq3A_24 = vector.broadcast %eq3A_23 : i32 to vector<128x512xi32>
    %eq3A_25 = arith.cmpi eq, %get3A_9, %eq3A_24 : vector<128x512xi32>
    %slice3A_26 = vector.extract_strided_slice %get3A_4 {offsets = [2, 0, 0], sizes = [1, 128, 512], strides = [1, 1, 1]} : vector<19x128x512xf32> to vector<1x128x512xf32>
    %squeeze3A_27 = vector.shape_cast %slice3A_26 : vector<1x128x512xf32> to vector<128x512xf32>
    %select_n3A_28 = arith.select %eq3A_25, %squeeze3A_27, %select_n3A_22 : vector<128x512xi1>, vector<128x512xf32>
    %eq3A_29 = arith.constant 3 : i32
    %eq3A_30 = vector.broadcast %eq3A_29 : i32 to vector<128x512xi32>
    %eq3A_31 = arith.cmpi eq, %get3A_9, %eq3A_30 : vector<128x512xi32>
    %slice3A_32 = vector.extract_strided_slice %get3A_4 {offsets = [3, 0, 0], sizes = [1, 128, 512], strides = [1, 1, 1]} : vector<19x128x512xf32> to vector<1x128x512xf32>
    %squeeze3A_33 = vector.shape_cast %slice3A_32 : vector<1x128x512xf32> to vector<128x512xf32>
    %select_n3A_34 = arith.select %eq3A_31, %squeeze3A_33, %select_n3A_28 : vector<128x512xi1>, vector<128x512xf32>
    %eq3A_35 = arith.constant 4 : i32
    %eq3A_36 = vector.broadcast %eq3A_35 : i32 to vector<128x512xi32>
    %eq3A_37 = arith.cmpi eq, %get3A_9, %eq3A_36 : vector<128x512xi32>
    %slice3A_38 = vector.extract_strided_slice %get3A_4 {offsets = [4, 0, 0], sizes = [1, 128, 512], strides = [1, 1, 1]} : vector<19x128x512xf32> to vector<1x128x512xf32>
    %squeeze3A_39 = vector.shape_cast %slice3A_38 : vector<1x128x512xf32> to vector<128x512xf32>
    %select_n3A_40 = arith.select %eq3A_37, %squeeze3A_39, %select_n3A_34 : vector<128x512xi1>, vector<128x512xf32>
    %eq3A_41 = arith.constant 5 : i32
    %eq3A_42 = vector.broadcast %eq3A_41 : i32 to vector<128x512xi32>
    %eq3A_43 = arith.cmpi eq, %get3A_9, %eq3A_42 : vector<128x512xi32>
    %slice3A_44 = vector.extract_strided_slice %get3A_4 {offsets = [5, 0, 0], sizes = [1, 128, 512], strides = [1, 1, 1]} : vector<19x128x512xf32> to vector<1x128x512xf32>
    %squeeze3A_45 = vector.shape_cast %slice3A_44 : vector<1x128x512xf32> to vector<128x512xf32>
    %select_n3A_46 = arith.select %eq3A_43, %squeeze3A_45, %select_n3A_40 : vector<128x512xi1>, vector<128x512xf32>
    %eq3A_47 = arith.constant 6 : i32
    %eq3A_48 = vector.broadcast %eq3A_47 : i32 to vector<128x512xi32>
    %eq3A_49 = arith.cmpi eq, %get3A_9, %eq3A_48 : vector<128x512xi32>
    %slice3A_50 = vector.extract_strided_slice %get3A_4 {offsets = [6, 0, 0], sizes = [1, 128, 512], strides = [1, 1, 1]} : vector<19x128x512xf32> to vector<1x128x512xf32>
    %squeeze3A_51 = vector.shape_cast %slice3A_50 : vector<1x128x512xf32> to vector<128x512xf32>
    %select_n3A_52 = arith.select %eq3A_49, %squeeze3A_51, %select_n3A_46 : vector<128x512xi1>, vector<128x512xf32>
    %eq3A_53 = arith.constant 7 : i32
    %eq3A_54 = vector.broadcast %eq3A_53 : i32 to vector<128x512xi32>
    %eq3A_55 = arith.cmpi eq, %get3A_9, %eq3A_54 : vector<128x512xi32>
    %slice3A_56 = vector.extract_strided_slice %get3A_4 {offsets = [7, 0, 0], sizes = [1, 128, 512], strides = [1, 1, 1]} : vector<19x128x512xf32> to vector<1x128x512xf32>
    %squeeze3A_57 = vector.shape_cast %slice3A_56 : vector<1x128x512xf32> to vector<128x512xf32>
    %select_n3A_58 = arith.select %eq3A_55, %squeeze3A_57, %select_n3A_52 : vector<128x512xi1>, vector<128x512xf32>
    %eq3A_59 = arith.constant 8 : i32
    %eq3A_60 = vector.broadcast %eq3A_59 : i32 to vector<128x512xi32>
    %eq3A_61 = arith.cmpi eq, %get3A_9, %eq3A_60 : vector<128x512xi32>
    %slice3A_62 = vector.extract_strided_slice %get3A_4 {offsets = [8, 0, 0], sizes = [1, 128, 512], strides = [1, 1, 1]} : vector<19x128x512xf32> to vector<1x128x512xf32>
    %squeeze3A_63 = vector.shape_cast %slice3A_62 : vector<1x128x512xf32> to vector<128x512xf32>
    %select_n3A_64 = arith.select %eq3A_61, %squeeze3A_63, %select_n3A_58 : vector<128x512xi1>, vector<128x512xf32>
    %eq3A_65 = arith.constant 9 : i32
    %eq3A_66 = vector.broadcast %eq3A_65 : i32 to vector<128x512xi32>
    %eq3A_67 = arith.cmpi eq, %get3A_9, %eq3A_66 : vector<128x512xi32>
    %slice3A_68 = vector.extract_strided_slice %get3A_4 {offsets = [9, 0, 0], sizes = [1, 128, 512], strides = [1, 1, 1]} : vector<19x128x512xf32> to vector<1x128x512xf32>
    %squeeze3A_69 = vector.shape_cast %slice3A_68 : vector<1x128x512xf32> to vector<128x512xf32>
    %select_n3A_70 = arith.select %eq3A_67, %squeeze3A_69, %select_n3A_64 : vector<128x512xi1>, vector<128x512xf32>
    %eq3A_71 = arith.constant 10 : i32
    %eq3A_72 = vector.broadcast %eq3A_71 : i32 to vector<128x512xi32>
    %eq3A_73 = arith.cmpi eq, %get3A_9, %eq3A_72 : vector<128x512xi32>
    %slice3A_74 = vector.extract_strided_slice %get3A_4 {offsets = [10, 0, 0], sizes = [1, 128, 512], strides = [1, 1, 1]} : vector<19x128x512xf32> to vector<1x128x512xf32>
    %squeeze3A_75 = vector.shape_cast %slice3A_74 : vector<1x128x512xf32> to vector<128x512xf32>
    %select_n3A_76 = arith.select %eq3A_73, %squeeze3A_75, %select_n3A_70 : vector<128x512xi1>, vector<128x512xf32>
    %eq3A_77 = arith.constant 11 : i32
    %eq3A_78 = vector.broadcast %eq3A_77 : i32 to vector<128x512xi32>
    %eq3A_79 = arith.cmpi eq, %get3A_9, %eq3A_78 : vector<128x512xi32>
    %slice3A_80 = vector.extract_strided_slice %get3A_4 {offsets = [11, 0, 0], sizes = [1, 128, 512], strides = [1, 1, 1]} : vector<19x128x512xf32> to vector<1x128x512xf32>
    %squeeze3A_81 = vector.shape_cast %slice3A_80 : vector<1x128x512xf32> to vector<128x512xf32>
    %select_n3A_82 = arith.select %eq3A_79, %squeeze3A_81, %select_n3A_76 : vector<128x512xi1>, vector<128x512xf32>
    %eq3A_83 = arith.constant 12 : i32
    %eq3A_84 = vector.broadcast %eq3A_83 : i32 to vector<128x512xi32>
    %eq3A_85 = arith.cmpi eq, %get3A_9, %eq3A_84 : vector<128x512xi32>
    %slice3A_86 = vector.extract_strided_slice %get3A_4 {offsets = [12, 0, 0], sizes = [1, 128, 512], strides = [1, 1, 1]} : vector<19x128x512xf32> to vector<1x128x512xf32>
    %squeeze3A_87 = vector.shape_cast %slice3A_86 : vector<1x128x512xf32> to vector<128x512xf32>
    %select_n3A_88 = arith.select %eq3A_85, %squeeze3A_87, %select_n3A_82 : vector<128x512xi1>, vector<128x512xf32>
    %eq3A_89 = arith.constant 13 : i32
    %eq3A_90 = vector.broadcast %eq3A_89 : i32 to vector<128x512xi32>
    %eq3A_91 = arith.cmpi eq, %get3A_9, %eq3A_90 : vector<128x512xi32>
    %slice3A_92 = vector.extract_strided_slice %get3A_4 {offsets = [13, 0, 0], sizes = [1, 128, 512], strides = [1, 1, 1]} : vector<19x128x512xf32> to vector<1x128x512xf32>
    %squeeze3A_93 = vector.shape_cast %slice3A_92 : vector<1x128x512xf32> to vector<128x512xf32>
    %select_n3A_94 = arith.select %eq3A_91, %squeeze3A_93, %select_n3A_88 : vector<128x512xi1>, vector<128x512xf32>
    %eq3A_95 = arith.constant 14 : i32
    %eq3A_96 = vector.broadcast %eq3A_95 : i32 to vector<128x512xi32>
    %eq3A_97 = arith.cmpi eq, %get3A_9, %eq3A_96 : vector<128x512xi32>
    %slice3A_98 = vector.extract_strided_slice %get3A_4 {offsets = [14, 0, 0], sizes = [1, 128, 512], strides = [1, 1, 1]} : vector<19x128x512xf32> to vector<1x128x512xf32>
    %squeeze3A_99 = vector.shape_cast %slice3A_98 : vector<1x128x512xf32> to vector<128x512xf32>
    %select_n3A_100 = arith.select %eq3A_97, %squeeze3A_99, %select_n3A_94 : vector<128x512xi1>, vector<128x512xf32>
    %eq3A_101 = arith.constant 15 : i32
    %eq3A_102 = vector.broadcast %eq3A_101 : i32 to vector<128x512xi32>
    %eq3A_103 = arith.cmpi eq, %get3A_9, %eq3A_102 : vector<128x512xi32>
    %slice3A_104 = vector.extract_strided_slice %get3A_4 {offsets = [15, 0, 0], sizes = [1, 128, 512], strides = [1, 1, 1]} : vector<19x128x512xf32> to vector<1x128x512xf32>
    %squeeze3A_105 = vector.shape_cast %slice3A_104 : vector<1x128x512xf32> to vector<128x512xf32>
    %select_n3A_106 = arith.select %eq3A_103, %squeeze3A_105, %select_n3A_100 : vector<128x512xi1>, vector<128x512xf32>
    %eq3A_107 = arith.constant 16 : i32
    %eq3A_108 = vector.broadcast %eq3A_107 : i32 to vector<128x512xi32>
    %eq3A_109 = arith.cmpi eq, %get3A_9, %eq3A_108 : vector<128x512xi32>
    %slice3A_110 = vector.extract_strided_slice %get3A_4 {offsets = [16, 0, 0], sizes = [1, 128, 512], strides = [1, 1, 1]} : vector<19x128x512xf32> to vector<1x128x512xf32>
    %squeeze3A_111 = vector.shape_cast %slice3A_110 : vector<1x128x512xf32> to vector<128x512xf32>
    %select_n3A_112 = arith.select %eq3A_109, %squeeze3A_111, %select_n3A_106 : vector<128x512xi1>, vector<128x512xf32>
    %eq3A_113 = arith.constant 17 : i32
    %eq3A_114 = vector.broadcast %eq3A_113 : i32 to vector<128x512xi32>
    %eq3A_115 = arith.cmpi eq, %get3A_9, %eq3A_114 : vector<128x512xi32>
    %slice3A_116 = vector.extract_strided_slice %get3A_4 {offsets = [17, 0, 0], sizes = [1, 128, 512], strides = [1, 1, 1]} : vector<19x128x512xf32> to vector<1x128x512xf32>
    %squeeze3A_117 = vector.shape_cast %slice3A_116 : vector<1x128x512xf32> to vector<128x512xf32>
    %select_n3A_118 = arith.select %eq3A_115, %squeeze3A_117, %select_n3A_112 : vector<128x512xi1>, vector<128x512xf32>
    %eq3A_119 = arith.constant 18 : i32
    %eq3A_120 = vector.broadcast %eq3A_119 : i32 to vector<128x512xi32>
    %eq3A_121 = arith.cmpi eq, %get3A_9, %eq3A_120 : vector<128x512xi32>
    %slice3A_122 = vector.extract_strided_slice %get3A_4 {offsets = [18, 0, 0], sizes = [1, 128, 512], strides = [1, 1, 1]} : vector<19x128x512xf32> to vector<1x128x512xf32>
    %squeeze3A_123 = vector.shape_cast %slice3A_122 : vector<1x128x512xf32> to vector<128x512xf32>
    %select_n3A_124 = arith.select %eq3A_121, %squeeze3A_123, %select_n3A_118 : vector<128x512xi1>, vector<128x512xf32>
    %log3A = math.log %reduce_sum3A_12 : vector<128x512xf32>
    %add3A = arith.addf %log3A, %reduce_max3A_10 : vector<128x512xf32>
    %sub3A_125 = arith.subf %add3A, %select_n3A_124 : vector<128x512xf32>
    %eq3A_126 = arith.constant 255 : i32
    %eq3A_127 = vector.broadcast %eq3A_126 : i32 to vector<128x512xi32>
    %eq3A_128 = arith.cmpi eq, %get3A_9, %eq3A_127 : vector<128x512xi32>
    %jit3A = arith.constant 0.000000e+00 : f32
    %broadcast_in_dim3A_129 = vector.broadcast %jit3A : f32 to vector<128x512xf32>
    %select_n3A_130 = arith.select %eq3A_128, %broadcast_in_dim3A_129, %sub3A_125 : vector<128x512xi1>, vector<128x512xf32>
    %slice3A_131 = vector.extract_strided_slice %select_n3A_130 {offsets = [0, 0], sizes = [128, 128], strides = [1, 1]} : vector<128x512xf32> to vector<128x128xf32>
    %swap3A = arith.constant 0 : index
    %swap3A_132 = arith.constant 0 : index
    %swap3A_133 = vector.load %arg4[%swap3A, %swap3A_132] : memref<512x128xf32, #tpu.memory_space<vmem>>, vector<128x128xf32>
    tpu.vector_store %arg4[%swap3A, %swap3A_132], %slice3A_131 {strides = array<i32>} : memref<512x128xf32, #tpu.memory_space<vmem>>, vector<128x128xf32>,
    %slice3A_134 = vector.extract_strided_slice %select_n3A_130 {offsets = [0, 128], sizes = [128, 128], strides = [1, 1]} : vector<128x512xf32> to vector<128x128xf32>
    %swap3A_135 = arith.constant 128 : index
    %swap3A_136 = arith.constant 0 : index
    %swap3A_137 = vector.load %arg4[%swap3A_135, %swap3A_136] : memref<512x128xf32, #tpu.memory_space<vmem>>, vector<128x128xf32>
    tpu.vector_store %arg4[%swap3A_135, %swap3A_136], %slice3A_134 {strides = array<i32>} : memref<512x128xf32, #tpu.memory_space<vmem>>, vector<128x128xf32>,
    %slice3A_138 = vector.extract_strided_slice %select_n3A_130 {offsets = [0, 256], sizes = [128, 128], strides = [1, 1]} : vector<128x512xf32> to vector<128x128xf32>
    %swap3A_139 = arith.constant 256 : index
    %swap3A_140 = arith.constant 0 : index
    %swap3A_141 = vector.load %arg4[%swap3A_139, %swap3A_140] : memref<512x128xf32, #tpu.memory_space<vmem>>, vector<128x128xf32>
    tpu.vector_store %arg4[%swap3A_139, %swap3A_140], %slice3A_138 {strides = array<i32>} : memref<512x128xf32, #tpu.memory_space<vmem>>, vector<128x128xf32>,
    %slice3A_142 = vector.extract_strided_slice %select_n3A_130 {offsets = [0, 384], sizes = [128, 128], strides = [1, 1]} : vector<128x512xf32> to vector<128x128xf32>
    %swap3A_143 = arith.constant 384 : index
    %swap3A_144 = arith.constant 0 : index
    %swap3A_145 = vector.load %arg4[%swap3A_143, %swap3A_144] : memref<512x128xf32, #tpu.memory_space<vmem>>, vector<128x128xf32>
    tpu.vector_store %arg4[%swap3A_143, %swap3A_144], %slice3A_142 {strides = array<i32>} : memref<512x128xf32, #tpu.memory_space<vmem>>, vector<128x128xf32>,
    return
  }
  func.func @transform_0(%arg0: i32, %arg1: i32) -> (i32, i32, i32, i32) {
    %add3A = arith.constant 6 : i32
    %add3A_0 = arith.addi %arg0, %add3A : i32
    %c0_i32 = arith.constant 0 : i32
    %c0_i32_1 = arith.constant 0 : i32
    %c0_i32_2 = arith.constant 0 : i32
    return %add3A_0, %c0_i32, %arg1, %c0_i32_1 : i32, i32, i32, i32
  }
  func.func @transform_1(%arg0: i32, %arg1: i32) -> (i32, i32, i32) {
    %add3A = arith.constant 6 : i32
    %add3A_0 = arith.addi %arg0, %add3A : i32
    %c0_i32 = arith.constant 0 : i32
    %c0_i32_1 = arith.constant 0 : i32
    return %add3A_0, %arg1, %c0_i32 : i32, i32, i32
  }
  func.func @transform_2(%arg0: i32, %arg1: i32) -> (i32, i32) {
    %mul3A = arith.constant 4 : i32
    %mul3A_0 = arith.muli %arg0, %mul3A : i32
    %add3A = arith.addi %mul3A_0, %arg1 : i32
    %c0_i32 = arith.constant 0 : i32
    %c0_i32_1 = arith.constant 0 : i32
    return %add3A, %c0_i32 : i32, i32
  }
}

module attributes {stable_mosaic.version = 14 : i64} {
  func.func @_select_body(%arg0: memref<128x128xf32, #tpu.memory_space<vmem>>, %arg1: memref<128x128xf32, #tpu.memory_space<vmem>>, %arg2: memref<32x128x128xf32, #tpu.memory_space<vmem>>, %arg3: memref<32x128x128xf32, #tpu.memory_space<vmem>>, %arg4: memref<1x1xf32, #tpu.memory_space<smem>>) attributes {dimension_semantics = [], scalar_prefetch = 0 : i64, scratch_operands = 0 : i64, tpu.core_type = #tpu.core_type<tc>} {
    %get3A = arith.constant 0 : index
    %get3A_0 = arith.constant 0 : index
    %get3A_1 = vector.load %arg0[%get3A, %get3A_0] : memref<128x128xf32, #tpu.memory_space<vmem>>, vector<128x128xf32>
    %get3A_2 = arith.constant 0 : index
    %get3A_3 = arith.constant 0 : index
    %get3A_4 = arith.constant 0 : index
    %get3A_5 = vector.load %arg2[%get3A_2, %get3A_3, %get3A_4] : memref<32x128x128xf32, #tpu.memory_space<vmem>>, vector<32x128x128xf32>
    %reduce_sum3A = arith.constant dense<0.000000e+00> : vector<128x128xf32>
    %reduce_sum3A_6 = vector.multi_reduction <add>, %get3A_5, %reduce_sum3A [0] : vector<32x128x128xf32> to vector<128x128xf32>
    %add3A = arith.addf %get3A_1, %reduce_sum3A_6 : vector<128x128xf32>
    %get3A_7 = arith.constant 0 : index
    %get3A_8 = arith.constant 0 : index
    %get3A_9 = vector.load %arg1[%get3A_7, %get3A_8] : memref<128x128xf32, #tpu.memory_space<vmem>>, vector<128x128xf32>
    %get3A_10 = arith.constant 0 : index
    %get3A_11 = arith.constant 0 : index
    %get3A_12 = arith.constant 0 : index
    %get3A_13 = vector.load %arg3[%get3A_10, %get3A_11, %get3A_12] : memref<32x128x128xf32, #tpu.memory_space<vmem>>, vector<32x128x128xf32>
    %reduce_sum3A_14 = arith.constant dense<0.000000e+00> : vector<128x128xf32>
    %reduce_sum3A_15 = vector.multi_reduction <add>, %get3A_13, %reduce_sum3A_14 [0] : vector<32x128x128xf32> to vector<128x128xf32>
    %add3A_16 = arith.addf %get3A_9, %reduce_sum3A_15 : vector<128x128xf32>
    %iota3A = tpu.iota {dimensions = array<i32: 0>} : vector<128x128xi32>
    %iota3A_17 = tpu.iota {dimensions = array<i32: 1>} : vector<128x128xi32>
    %mul3A = arith.constant 128 : i32
    %mul3A_18 = vector.broadcast %mul3A : i32 to vector<128x128xi32>
    %mul3A_19 = arith.muli %iota3A, %mul3A_18 : vector<128x128xi32>
    %add3A_20 = arith.addi %mul3A_19, %iota3A_17 : vector<128x128xi32>
    %shift_right_logical3A = arith.constant 4 : i32
    %shift_right_logical3A_21 = vector.broadcast %shift_right_logical3A : i32 to vector<128x128xi32>
    %shift_right_logical3A_22 = arith.shrui %add3A_20, %shift_right_logical3A_21 : vector<128x128xi32>
    %scan3A = arith.constant 1.000000e+05 : f32
    %scan3A_23 = arith.constant -1 : i32
    %scan3A_24 = arith.constant 1023 : i32
    %scan3A_25 = arith.constant 0 : i32
    %scan3A_26 = arith.constant 12 : i32
    %scan3A_27 = arith.addi %scan3A_25, %scan3A_26 : i32
    %scan3A_28 = arith.constant 1 : i32
    %scan3A_29:2 = scf.for %scan3A_160 = %scan3A_25 to %scan3A_27 step %scan3A_28 iter_args(%scan3A_161 = %scan3A_23, %scan3A_162 = %scan3A_24) -> (i32, i32)  : i32 {
      %add3A_163 = arith.addi %scan3A_161, %scan3A_162 : i32
      %jit3A_164 = arith.constant 2 : i32
      %div3A_165 = arith.divsi %add3A_163, %jit3A_164 : i32
      %sign3A = arith.constant 0 : i32
      %sign3A_166 = arith.cmpi sgt, %add3A_163, %sign3A : i32
      %sign3A_167 = arith.extui %sign3A_166 : i1 to i32
      %sign3A_168 = arith.constant 0 : i32
      %sign3A_169 = arith.cmpi slt, %add3A_163, %sign3A_168 : i32
      %sign3A_170 = arith.extui %sign3A_169 : i1 to i32
      %sign3A_171 = arith.subi %sign3A_167, %sign3A_170 : i32
      %sign3A_172 = arith.constant 0 : i32
      %sign3A_173 = arith.cmpi sgt, %jit3A_164, %sign3A_172 : i32
      %sign3A_174 = arith.extui %sign3A_173 : i1 to i32
      %sign3A_175 = arith.constant 0 : i32
      %sign3A_176 = arith.cmpi slt, %jit3A_164, %sign3A_175 : i32
      %sign3A_177 = arith.extui %sign3A_176 : i1 to i32
      %sign3A_178 = arith.subi %sign3A_174, %sign3A_177 : i32
      %ne3A = arith.cmpi ne, %sign3A_171, %sign3A_178 : i32
      %rem3A = arith.remsi %add3A_163, %jit3A_164 : i32
      %ne3A_179 = arith.constant 0 : i32
      %ne3A_180 = arith.cmpi ne, %rem3A, %ne3A_179 : i32
      %and3A = arith.andi %ne3A, %ne3A_180 : i1
      %sub3A_181 = arith.constant 1 : i32
      %sub3A_182 = arith.subi %div3A_165, %sub3A_181 : i32
      %select_n3A_183 = arith.select %and3A, %sub3A_182, %div3A_165 : i32
      %gt3A_184 = vector.broadcast %select_n3A_183 : i32 to vector<128x128xi32>
      %gt3A_185 = arith.cmpi sgt, %shift_right_logical3A_22, %gt3A_184 : vector<128x128xi32>
      %jit3A_186 = arith.constant 0.000000e+00 : f32
      %broadcast_in_dim3A_187 = vector.broadcast %jit3A_186 : f32 to vector<128x128xf32>
      %select_n3A_188 = arith.select %gt3A_185, %add3A, %broadcast_in_dim3A_187 : vector<128x128xi1>, vector<128x128xf32>
      %reduce_sum3A_189 = vector.shape_cast %select_n3A_188 : vector<128x128xf32> to vector<1x128x128xf32>
      %reduce_sum3A_190 = arith.constant dense<0.000000e+00> : vector<1xf32>
      %reduce_sum3A_191 = vector.multi_reduction <add>, %reduce_sum3A_189, %reduce_sum3A_190 [1, 2] : vector<1x128x128xf32> to vector<1xf32>
      %reduce_sum3A_192 = vector.shape_cast %reduce_sum3A_191 : vector<1xf32> to vector<1x1x1xf32>
      %reduce_sum3A_193 = vector.extract %reduce_sum3A_192[0, 0, 0] : f32 from vector<1x1x1xf32>
      %lt3A_194 = arith.cmpf olt, %reduce_sum3A_193, %scan3A : f32
      %select_n3A_195 = arith.select %lt3A_194, %scan3A_161, %select_n3A_183 : i32
      %select_n3A_196 = arith.select %lt3A_194, %select_n3A_183, %scan3A_162 : i32
      scf.yield %select_n3A_195, %select_n3A_196 : i32, i32
    }
    %gt3A = vector.broadcast %scan3A_29#1 : i32 to vector<128x128xi32>
    %gt3A_30 = arith.cmpi sgt, %shift_right_logical3A_22, %gt3A : vector<128x128xi32>
    %jit3A = arith.constant 0.000000e+00 : f32
    %broadcast_in_dim3A = vector.broadcast %jit3A : f32 to vector<128x128xf32>
    %select_n3A = arith.select %gt3A_30, %add3A, %broadcast_in_dim3A : vector<128x128xi1>, vector<128x128xf32>
    %reduce_sum3A_31 = vector.shape_cast %select_n3A : vector<128x128xf32> to vector<1x128x128xf32>
    %reduce_sum3A_32 = arith.constant dense<0.000000e+00> : vector<1xf32>
    %reduce_sum3A_33 = vector.multi_reduction <add>, %reduce_sum3A_31, %reduce_sum3A_32 [1, 2] : vector<1x128x128xf32> to vector<1xf32>
    %reduce_sum3A_34 = vector.shape_cast %reduce_sum3A_33 : vector<1xf32> to vector<1x1x1xf32>
    %reduce_sum3A_35 = vector.extract %reduce_sum3A_34[0, 0, 0] : f32 from vector<1x1x1xf32>
    %gt3A_36 = vector.broadcast %scan3A_29#1 : i32 to vector<128x128xi32>
    %gt3A_37 = arith.cmpi sgt, %shift_right_logical3A_22, %gt3A_36 : vector<128x128xi32>
    %jit3A_38 = arith.constant 0.000000e+00 : f32
    %broadcast_in_dim3A_39 = vector.broadcast %jit3A_38 : f32 to vector<128x128xf32>
    %select_n3A_40 = arith.select %gt3A_37, %add3A_16, %broadcast_in_dim3A_39 : vector<128x128xi1>, vector<128x128xf32>
    %reduce_sum3A_41 = vector.shape_cast %select_n3A_40 : vector<128x128xf32> to vector<1x128x128xf32>
    %reduce_sum3A_42 = arith.constant dense<0.000000e+00> : vector<1xf32>
    %reduce_sum3A_43 = vector.multi_reduction <add>, %reduce_sum3A_41, %reduce_sum3A_42 [1, 2] : vector<1x128x128xf32> to vector<1xf32>
    %reduce_sum3A_44 = vector.shape_cast %reduce_sum3A_43 : vector<1xf32> to vector<1x1x1xf32>
    %reduce_sum3A_45 = vector.extract %reduce_sum3A_44[0, 0, 0] : f32 from vector<1x1x1xf32>
    %eq3A = vector.broadcast %scan3A_29#1 : i32 to vector<128x128xi32>
    %eq3A_46 = arith.cmpi eq, %shift_right_logical3A_22, %eq3A : vector<128x128xi32>
    %jit3A_47 = arith.constant 0.000000e+00 : f32
    %broadcast_in_dim3A_48 = vector.broadcast %jit3A_47 : f32 to vector<128x128xf32>
    %select_n3A_49 = arith.select %eq3A_46, %add3A, %broadcast_in_dim3A_48 : vector<128x128xi1>, vector<128x128xf32>
    %reduce_sum3A_50 = vector.shape_cast %select_n3A_49 : vector<128x128xf32> to vector<1x128x128xf32>
    %reduce_sum3A_51 = arith.constant dense<0.000000e+00> : vector<1xf32>
    %reduce_sum3A_52 = vector.multi_reduction <add>, %reduce_sum3A_50, %reduce_sum3A_51 [1, 2] : vector<1x128x128xf32> to vector<1xf32>
    %reduce_sum3A_53 = vector.shape_cast %reduce_sum3A_52 : vector<1xf32> to vector<1x1x1xf32>
    %reduce_sum3A_54 = vector.extract %reduce_sum3A_53[0, 0, 0] : f32 from vector<1x1x1xf32>
    %eq3A_55 = vector.broadcast %scan3A_29#1 : i32 to vector<128x128xi32>
    %eq3A_56 = arith.cmpi eq, %shift_right_logical3A_22, %eq3A_55 : vector<128x128xi32>
    %jit3A_57 = arith.constant 0.000000e+00 : f32
    %broadcast_in_dim3A_58 = vector.broadcast %jit3A_57 : f32 to vector<128x128xf32>
    %select_n3A_59 = arith.select %eq3A_56, %add3A_16, %broadcast_in_dim3A_58 : vector<128x128xi1>, vector<128x128xf32>
    %reduce_sum3A_60 = vector.shape_cast %select_n3A_59 : vector<128x128xf32> to vector<1x128x128xf32>
    %reduce_sum3A_61 = arith.constant dense<0.000000e+00> : vector<1xf32>
    %reduce_sum3A_62 = vector.multi_reduction <add>, %reduce_sum3A_60, %reduce_sum3A_61 [1, 2] : vector<1x128x128xf32> to vector<1xf32>
    %reduce_sum3A_63 = vector.shape_cast %reduce_sum3A_62 : vector<1xf32> to vector<1x1x1xf32>
    %reduce_sum3A_64 = vector.extract %reduce_sum3A_63[0, 0, 0] : f32 from vector<1x1x1xf32>
    %sub3A = arith.constant 1.000000e+05 : f32
    %sub3A_65 = arith.subf %sub3A, %reduce_sum3A_35 : f32
    %shift_left3A = arith.constant 21 : i32
    %shift_left3A_66 = vector.broadcast %shift_left3A : i32 to vector<128x128xi32>
    %shift_left3A_67 = arith.shli %shift_right_logical3A_22, %shift_left3A_66 : vector<128x128xi32>
    %bitcast_convert_type3A = tpu.bitcast %shift_left3A_67 : vector<128x128xi32> -> vector<128x128xf32>
    %eq3A_68 = vector.broadcast %scan3A_29#1 : i32 to vector<128x128xi32>
    %eq3A_69 = arith.cmpi eq, %shift_right_logical3A_22, %eq3A_68 : vector<128x128xi32>
    %jit3A_70 = arith.constant 0.000000e+00 : f32
    %broadcast_in_dim3A_71 = vector.broadcast %jit3A_70 : f32 to vector<128x128xf32>
    %select_n3A_72 = arith.select %eq3A_69, %bitcast_convert_type3A, %broadcast_in_dim3A_71 : vector<128x128xi1>, vector<128x128xf32>
    %reduce_sum3A_73 = vector.shape_cast %select_n3A_72 : vector<128x128xf32> to vector<1x128x128xf32>
    %reduce_sum3A_74 = arith.constant dense<0.000000e+00> : vector<1xf32>
    %reduce_sum3A_75 = vector.multi_reduction <add>, %reduce_sum3A_73, %reduce_sum3A_74 [1, 2] : vector<1x128x128xf32> to vector<1xf32>
    %reduce_sum3A_76 = vector.shape_cast %reduce_sum3A_75 : vector<1xf32> to vector<1x1x1xf32>
    %reduce_sum3A_77 = vector.extract %reduce_sum3A_76[0, 0, 0] : f32 from vector<1x1x1xf32>
    %div3A = arith.constant 1.600000e+01 : f32
    %div3A_78 = arith.divf %reduce_sum3A_77, %div3A : f32
    %add3A_79 = arith.constant 1 : i32
    %add3A_80 = arith.addi %scan3A_29#1, %add3A_79 : i32
    %eq3A_81 = vector.broadcast %add3A_80 : i32 to vector<128x128xi32>
    %eq3A_82 = arith.cmpi eq, %shift_right_logical3A_22, %eq3A_81 : vector<128x128xi32>
    %jit3A_83 = arith.constant 0.000000e+00 : f32
    %broadcast_in_dim3A_84 = vector.broadcast %jit3A_83 : f32 to vector<128x128xf32>
    %select_n3A_85 = arith.select %eq3A_82, %bitcast_convert_type3A, %broadcast_in_dim3A_84 : vector<128x128xi1>, vector<128x128xf32>
    %reduce_sum3A_86 = vector.shape_cast %select_n3A_85 : vector<128x128xf32> to vector<1x128x128xf32>
    %reduce_sum3A_87 = arith.constant dense<0.000000e+00> : vector<1xf32>
    %reduce_sum3A_88 = vector.multi_reduction <add>, %reduce_sum3A_86, %reduce_sum3A_87 [1, 2] : vector<1x128x128xf32> to vector<1xf32>
    %reduce_sum3A_89 = vector.shape_cast %reduce_sum3A_88 : vector<1xf32> to vector<1x1x1xf32>
    %reduce_sum3A_90 = vector.extract %reduce_sum3A_89[0, 0, 0] : f32 from vector<1x1x1xf32>
    %div3A_91 = arith.constant 1.600000e+01 : f32
    %div3A_92 = arith.divf %reduce_sum3A_90, %div3A_91 : f32
    %sub3A_93 = arith.subf %div3A_92, %div3A_78 : f32
    %div3A_94 = arith.divf %reduce_sum3A_64, %reduce_sum3A_54 : f32
    %sub3A_95 = arith.subf %div3A_94, %div3A_78 : f32
    %div3A_96 = arith.divf %sub3A_95, %sub3A_93 : f32
    %mul3A_97 = arith.constant 1.200000e+01 : f32
    %mul3A_98 = arith.mulf %mul3A_97, %div3A_96 : f32
    %sub3A_99 = arith.constant 6.000000e+00 : f32
    %sub3A_100 = arith.subf %mul3A_98, %sub3A_99 : f32
    %jit3A_101 = arith.constant -2.000000e+00 : f32
    %jit3A_102 = arith.constant 2.000000e+00 : f32
    %max3A = arith.maximumf %jit3A_101, %sub3A_100 : f32
    %min3A = arith.minimumf %jit3A_102, %max3A : f32
    %div3A_103 = arith.constant 2.000000e+00 : f32
    %div3A_104 = arith.divf %min3A, %div3A_103 : f32
    %sub3A_105 = arith.constant 1.000000e+00 : f32
    %sub3A_106 = arith.subf %sub3A_105, %div3A_104 : f32
    %div3A_107 = arith.divf %sub3A_65, %reduce_sum3A_54 : f32
    %abs3A = math.absf %min3A : f32
    %lt3A = arith.constant 1.000000e-03 : f32
    %lt3A_108 = arith.cmpf olt, %abs3A, %lt3A : f32
    %jit3A_109 = arith.constant 1.000000e+00 : f32
    %select_n3A_110 = arith.select %lt3A_108, %jit3A_109, %min3A : f32
    %mul3A_111 = arith.mulf %sub3A_106, %sub3A_106 : f32
    %mul3A_112 = arith.constant 2.000000e+00 : f32
    %mul3A_113 = arith.mulf %mul3A_112, %select_n3A_110 : f32
    %div3A_114 = arith.constant 2.000000e+00 : f32
    %div3A_115 = arith.divf %select_n3A_110, %div3A_114 : f32
    %add3A_116 = arith.addf %sub3A_106, %div3A_115 : f32
    %sub3A_117 = arith.subf %add3A_116, %div3A_107 : f32
    %mul3A_118 = arith.mulf %mul3A_113, %sub3A_117 : f32
    %add3A_119 = arith.addf %mul3A_111, %mul3A_118 : f32
    %max3A_120 = arith.constant 0.000000e+00 : f32
    %max3A_121 = arith.maximumf %add3A_119, %max3A_120 : f32
    %broadcast_in_dim3A_122 = vector.broadcast %max3A_121 : f32 to vector<8x128xf32>
    %sqrt3A = math.sqrt %broadcast_in_dim3A_122 : vector<8x128xf32>
    %reduce_max3A = vector.shape_cast %sqrt3A : vector<8x128xf32> to vector<1x8x128xf32>
    %reduce_max3A_123 = arith.constant dense<0xFF800000> : vector<1xf32>
    %reduce_max3A_124 = vector.multi_reduction <maximumf>, %reduce_max3A, %reduce_max3A_123 [1, 2] : vector<1x8x128xf32> to vector<1xf32>
    %reduce_max3A_125 = vector.shape_cast %reduce_max3A_124 : vector<1xf32> to vector<1x1x1xf32>
    %reduce_max3A_126 = vector.extract %reduce_max3A_125[0, 0, 0] : f32 from vector<1x1x1xf32>
    %sub3A_127 = arith.subf %reduce_max3A_126, %sub3A_106 : f32
    %div3A_128 = arith.divf %sub3A_127, %select_n3A_110 : f32
    %div3A_129 = arith.divf %div3A_107, %sub3A_106 : f32
    %sub3A_130 = arith.constant 1.000000e+00 : f32
    %sub3A_131 = arith.subf %sub3A_130, %div3A_129 : f32
    %select_n3A_132 = arith.select %lt3A_108, %sub3A_131, %div3A_128 : f32
    %jit3A_133 = arith.constant 0.000000e+00 : f32
    %jit3A_134 = arith.constant 1.000000e+00 : f32
    %max3A_135 = arith.maximumf %jit3A_133, %select_n3A_132 : f32
    %min3A_136 = arith.minimumf %jit3A_134, %max3A_135 : f32
    %mul3A_137 = arith.mulf %min3A_136, %min3A_136 : f32
    %sub3A_138 = arith.constant 1.000000e+00 : f32
    %sub3A_139 = arith.subf %sub3A_138, %mul3A_137 : f32
    %mul3A_140 = arith.mulf %sub3A_106, %sub3A_139 : f32
    %div3A_141 = arith.constant 2.000000e+00 : f32
    %div3A_142 = arith.divf %mul3A_140, %div3A_141 : f32
    %mul3A_143 = arith.mulf %min3A_136, %min3A_136 : f32
    %mul3A_144 = arith.mulf %mul3A_143, %min3A_136 : f32
    %sub3A_145 = arith.constant 1.000000e+00 : f32
    %sub3A_146 = arith.subf %sub3A_145, %mul3A_144 : f32
    %mul3A_147 = arith.mulf %min3A, %sub3A_146 : f32
    %div3A_148 = arith.constant 3.000000e+00 : f32
    %div3A_149 = arith.divf %mul3A_147, %div3A_148 : f32
    %add3A_150 = arith.addf %div3A_142, %div3A_149 : f32
    %mul3A_151 = arith.mulf %reduce_sum3A_54, %sub3A_93 : f32
    %mul3A_152 = arith.mulf %mul3A_151, %add3A_150 : f32
    %mul3A_153 = arith.mulf %sub3A_65, %div3A_78 : f32
    %add3A_154 = arith.addf %mul3A_152, %mul3A_153 : f32
    %add3A_155 = arith.addf %reduce_sum3A_45, %add3A_154 : f32
    %div3A_156 = arith.constant 1.000000e+05 : f32
    %div3A_157 = arith.divf %add3A_155, %div3A_156 : f32
    %swap3A = arith.constant 0 : index
    %swap3A_158 = arith.constant 0 : index
    %swap3A_159 = memref.load %arg4[%swap3A, %swap3A_158] : memref<1x1xf32, #tpu.memory_space<smem>>
    memref.store %div3A_157, %arg4[%swap3A, %swap3A_158] : memref<1x1xf32, #tpu.memory_space<smem>>
    return
  }
}

module attributes {stable_mosaic.version = 14 : i64} {
  func.func @_merge_body(%arg0: memref<32x128x128xf32, #tpu.memory_space<vmem>>, %arg1: memref<32x128x128xf32, #tpu.memory_space<vmem>>, %arg2: memref<128x128xf32, #tpu.memory_space<vmem>>, %arg3: memref<128x128xf32, #tpu.memory_space<vmem>>) attributes {dimension_semantics = [], scalar_prefetch = 0 : i64, scratch_operands = 0 : i64, tpu.core_type = #tpu.core_type<tc>} {
    %get3A = arith.constant 0 : index
    %get3A_0 = arith.constant 0 : index
    %get3A_1 = arith.constant 0 : index
    %get3A_2 = vector.load %arg0[%get3A, %get3A_0, %get3A_1] : memref<32x128x128xf32, #tpu.memory_space<vmem>>, vector<32x128x128xf32>
    %reduce_sum3A = arith.constant dense<0.000000e+00> : vector<128x128xf32>
    %reduce_sum3A_3 = vector.multi_reduction <add>, %get3A_2, %reduce_sum3A [0] : vector<32x128x128xf32> to vector<128x128xf32>
    %swap3A = arith.constant 0 : index
    %swap3A_4 = arith.constant 0 : index
    %swap3A_5 = vector.load %arg2[%swap3A, %swap3A_4] : memref<128x128xf32, #tpu.memory_space<vmem>>, vector<128x128xf32>
    tpu.vector_store %arg2[%swap3A, %swap3A_4], %reduce_sum3A_3 {strides = array<i32>} : memref<128x128xf32, #tpu.memory_space<vmem>>, vector<128x128xf32>,
    %get3A_6 = arith.constant 0 : index
    %get3A_7 = arith.constant 0 : index
    %get3A_8 = arith.constant 0 : index
    %get3A_9 = vector.load %arg1[%get3A_6, %get3A_7, %get3A_8] : memref<32x128x128xf32, #tpu.memory_space<vmem>>, vector<32x128x128xf32>
    %reduce_sum3A_10 = arith.constant dense<0.000000e+00> : vector<128x128xf32>
    %reduce_sum3A_11 = vector.multi_reduction <add>, %get3A_9, %reduce_sum3A_10 [0] : vector<32x128x128xf32> to vector<128x128xf32>
    %swap3A_12 = arith.constant 0 : index
    %swap3A_13 = arith.constant 0 : index
    %swap3A_14 = vector.load %arg3[%swap3A_12, %swap3A_13] : memref<128x128xf32, #tpu.memory_space<vmem>>, vector<128x128xf32>
    tpu.vector_store %arg3[%swap3A_12, %swap3A_13], %reduce_sum3A_11 {strides = array<i32>} : memref<128x128xf32, #tpu.memory_space<vmem>>, vector<128x128xf32>,
    return
  }
}

module attributes {stable_mosaic.version = 14 : i64} {
  func.func @body(%arg0: i32, %arg1: i32, %arg2: memref<1x19x256x512xf32, #tpu.memory_space<vmem>>, %arg3: memref<1x256x512xi32, #tpu.memory_space<vmem>>, %arg4: memref<1024x128xf32, #tpu.memory_space<vmem>>) attributes {dimension_semantics = [#tpu.dimension_semantics<arbitrary>, #tpu.dimension_semantics<arbitrary>], iteration_bounds = array<i64: 6, 2>, scalar_prefetch = 0 : i64, scratch_operands = 0 : i64, tpu.core_type = #tpu.core_type<tc>, window_params = [{transform_indices = @transform_0, window_bounds = array<i64: 1, 19, 256, 512>}, {transform_indices = @transform_1, window_bounds = array<i64: 1, 256, 512>}, {transform_indices = @transform_2, window_bounds = array<i64: 1024, 128>}]} {
    %get3A = arith.constant 0 : index
    %get3A_0 = arith.constant 0 : index
    %get3A_1 = arith.constant 0 : index
    %get3A_2 = arith.constant 0 : index
    %get3A_3 = vector.load %arg2[%get3A, %get3A_0, %get3A_1, %get3A_2] : memref<1x19x256x512xf32, #tpu.memory_space<vmem>>, vector<1x19x256x512xf32>
    %get3A_4 = vector.shape_cast %get3A_3 : vector<1x19x256x512xf32> to vector<19x256x512xf32>
    %get3A_5 = arith.constant 0 : index
    %get3A_6 = arith.constant 0 : index
    %get3A_7 = arith.constant 0 : index
    %get3A_8 = vector.load %arg3[%get3A_5, %get3A_6, %get3A_7] : memref<1x256x512xi32, #tpu.memory_space<vmem>>, vector<1x256x512xi32>
    %get3A_9 = vector.shape_cast %get3A_8 : vector<1x256x512xi32> to vector<256x512xi32>
    %reduce_max3A = arith.constant dense<0xFF800000> : vector<256x512xf32>
    %reduce_max3A_10 = vector.multi_reduction <maximumf>, %get3A_4, %reduce_max3A [0] : vector<19x256x512xf32> to vector<256x512xf32>
    %broadcast_in_dim3A = vector.shape_cast %reduce_max3A_10 : vector<256x512xf32> to vector<1x256x512xf32>
    %sub3A = vector.broadcast %broadcast_in_dim3A : vector<1x256x512xf32> to vector<19x256x512xf32>
    %sub3A_11 = arith.subf %get3A_4, %sub3A : vector<19x256x512xf32>
    %exp3A = math.exp %sub3A_11 : vector<19x256x512xf32>
    %reduce_sum3A = arith.constant dense<0.000000e+00> : vector<256x512xf32>
    %reduce_sum3A_12 = vector.multi_reduction <add>, %exp3A, %reduce_sum3A [0] : vector<19x256x512xf32> to vector<256x512xf32>
    %broadcast_in_dim3A_13 = arith.constant 0.000000e+00 : f32
    %broadcast_in_dim3A_14 = vector.broadcast %broadcast_in_dim3A_13 : f32 to vector<256x512xf32>
    %eq3A = arith.constant 0 : i32
    %eq3A_15 = vector.broadcast %eq3A : i32 to vector<256x512xi32>
    %eq3A_16 = arith.cmpi eq, %get3A_9, %eq3A_15 : vector<256x512xi32>
    %slice3A = vector.extract_strided_slice %get3A_4 {offsets = [0, 0, 0], sizes = [1, 256, 512], strides = [1, 1, 1]} : vector<19x256x512xf32> to vector<1x256x512xf32>
    %squeeze3A = vector.shape_cast %slice3A : vector<1x256x512xf32> to vector<256x512xf32>
    %select_n3A = arith.select %eq3A_16, %squeeze3A, %broadcast_in_dim3A_14 : vector<256x512xi1>, vector<256x512xf32>
    %eq3A_17 = arith.constant 1 : i32
    %eq3A_18 = vector.broadcast %eq3A_17 : i32 to vector<256x512xi32>
    %eq3A_19 = arith.cmpi eq, %get3A_9, %eq3A_18 : vector<256x512xi32>
    %slice3A_20 = vector.extract_strided_slice %get3A_4 {offsets = [1, 0, 0], sizes = [1, 256, 512], strides = [1, 1, 1]} : vector<19x256x512xf32> to vector<1x256x512xf32>
    %squeeze3A_21 = vector.shape_cast %slice3A_20 : vector<1x256x512xf32> to vector<256x512xf32>
    %select_n3A_22 = arith.select %eq3A_19, %squeeze3A_21, %select_n3A : vector<256x512xi1>, vector<256x512xf32>
    %eq3A_23 = arith.constant 2 : i32
    %eq3A_24 = vector.broadcast %eq3A_23 : i32 to vector<256x512xi32>
    %eq3A_25 = arith.cmpi eq, %get3A_9, %eq3A_24 : vector<256x512xi32>
    %slice3A_26 = vector.extract_strided_slice %get3A_4 {offsets = [2, 0, 0], sizes = [1, 256, 512], strides = [1, 1, 1]} : vector<19x256x512xf32> to vector<1x256x512xf32>
    %squeeze3A_27 = vector.shape_cast %slice3A_26 : vector<1x256x512xf32> to vector<256x512xf32>
    %select_n3A_28 = arith.select %eq3A_25, %squeeze3A_27, %select_n3A_22 : vector<256x512xi1>, vector<256x512xf32>
    %eq3A_29 = arith.constant 3 : i32
    %eq3A_30 = vector.broadcast %eq3A_29 : i32 to vector<256x512xi32>
    %eq3A_31 = arith.cmpi eq, %get3A_9, %eq3A_30 : vector<256x512xi32>
    %slice3A_32 = vector.extract_strided_slice %get3A_4 {offsets = [3, 0, 0], sizes = [1, 256, 512], strides = [1, 1, 1]} : vector<19x256x512xf32> to vector<1x256x512xf32>
    %squeeze3A_33 = vector.shape_cast %slice3A_32 : vector<1x256x512xf32> to vector<256x512xf32>
    %select_n3A_34 = arith.select %eq3A_31, %squeeze3A_33, %select_n3A_28 : vector<256x512xi1>, vector<256x512xf32>
    %eq3A_35 = arith.constant 4 : i32
    %eq3A_36 = vector.broadcast %eq3A_35 : i32 to vector<256x512xi32>
    %eq3A_37 = arith.cmpi eq, %get3A_9, %eq3A_36 : vector<256x512xi32>
    %slice3A_38 = vector.extract_strided_slice %get3A_4 {offsets = [4, 0, 0], sizes = [1, 256, 512], strides = [1, 1, 1]} : vector<19x256x512xf32> to vector<1x256x512xf32>
    %squeeze3A_39 = vector.shape_cast %slice3A_38 : vector<1x256x512xf32> to vector<256x512xf32>
    %select_n3A_40 = arith.select %eq3A_37, %squeeze3A_39, %select_n3A_34 : vector<256x512xi1>, vector<256x512xf32>
    %eq3A_41 = arith.constant 5 : i32
    %eq3A_42 = vector.broadcast %eq3A_41 : i32 to vector<256x512xi32>
    %eq3A_43 = arith.cmpi eq, %get3A_9, %eq3A_42 : vector<256x512xi32>
    %slice3A_44 = vector.extract_strided_slice %get3A_4 {offsets = [5, 0, 0], sizes = [1, 256, 512], strides = [1, 1, 1]} : vector<19x256x512xf32> to vector<1x256x512xf32>
    %squeeze3A_45 = vector.shape_cast %slice3A_44 : vector<1x256x512xf32> to vector<256x512xf32>
    %select_n3A_46 = arith.select %eq3A_43, %squeeze3A_45, %select_n3A_40 : vector<256x512xi1>, vector<256x512xf32>
    %eq3A_47 = arith.constant 6 : i32
    %eq3A_48 = vector.broadcast %eq3A_47 : i32 to vector<256x512xi32>
    %eq3A_49 = arith.cmpi eq, %get3A_9, %eq3A_48 : vector<256x512xi32>
    %slice3A_50 = vector.extract_strided_slice %get3A_4 {offsets = [6, 0, 0], sizes = [1, 256, 512], strides = [1, 1, 1]} : vector<19x256x512xf32> to vector<1x256x512xf32>
    %squeeze3A_51 = vector.shape_cast %slice3A_50 : vector<1x256x512xf32> to vector<256x512xf32>
    %select_n3A_52 = arith.select %eq3A_49, %squeeze3A_51, %select_n3A_46 : vector<256x512xi1>, vector<256x512xf32>
    %eq3A_53 = arith.constant 7 : i32
    %eq3A_54 = vector.broadcast %eq3A_53 : i32 to vector<256x512xi32>
    %eq3A_55 = arith.cmpi eq, %get3A_9, %eq3A_54 : vector<256x512xi32>
    %slice3A_56 = vector.extract_strided_slice %get3A_4 {offsets = [7, 0, 0], sizes = [1, 256, 512], strides = [1, 1, 1]} : vector<19x256x512xf32> to vector<1x256x512xf32>
    %squeeze3A_57 = vector.shape_cast %slice3A_56 : vector<1x256x512xf32> to vector<256x512xf32>
    %select_n3A_58 = arith.select %eq3A_55, %squeeze3A_57, %select_n3A_52 : vector<256x512xi1>, vector<256x512xf32>
    %eq3A_59 = arith.constant 8 : i32
    %eq3A_60 = vector.broadcast %eq3A_59 : i32 to vector<256x512xi32>
    %eq3A_61 = arith.cmpi eq, %get3A_9, %eq3A_60 : vector<256x512xi32>
    %slice3A_62 = vector.extract_strided_slice %get3A_4 {offsets = [8, 0, 0], sizes = [1, 256, 512], strides = [1, 1, 1]} : vector<19x256x512xf32> to vector<1x256x512xf32>
    %squeeze3A_63 = vector.shape_cast %slice3A_62 : vector<1x256x512xf32> to vector<256x512xf32>
    %select_n3A_64 = arith.select %eq3A_61, %squeeze3A_63, %select_n3A_58 : vector<256x512xi1>, vector<256x512xf32>
    %eq3A_65 = arith.constant 9 : i32
    %eq3A_66 = vector.broadcast %eq3A_65 : i32 to vector<256x512xi32>
    %eq3A_67 = arith.cmpi eq, %get3A_9, %eq3A_66 : vector<256x512xi32>
    %slice3A_68 = vector.extract_strided_slice %get3A_4 {offsets = [9, 0, 0], sizes = [1, 256, 512], strides = [1, 1, 1]} : vector<19x256x512xf32> to vector<1x256x512xf32>
    %squeeze3A_69 = vector.shape_cast %slice3A_68 : vector<1x256x512xf32> to vector<256x512xf32>
    %select_n3A_70 = arith.select %eq3A_67, %squeeze3A_69, %select_n3A_64 : vector<256x512xi1>, vector<256x512xf32>
    %eq3A_71 = arith.constant 10 : i32
    %eq3A_72 = vector.broadcast %eq3A_71 : i32 to vector<256x512xi32>
    %eq3A_73 = arith.cmpi eq, %get3A_9, %eq3A_72 : vector<256x512xi32>
    %slice3A_74 = vector.extract_strided_slice %get3A_4 {offsets = [10, 0, 0], sizes = [1, 256, 512], strides = [1, 1, 1]} : vector<19x256x512xf32> to vector<1x256x512xf32>
    %squeeze3A_75 = vector.shape_cast %slice3A_74 : vector<1x256x512xf32> to vector<256x512xf32>
    %select_n3A_76 = arith.select %eq3A_73, %squeeze3A_75, %select_n3A_70 : vector<256x512xi1>, vector<256x512xf32>
    %eq3A_77 = arith.constant 11 : i32
    %eq3A_78 = vector.broadcast %eq3A_77 : i32 to vector<256x512xi32>
    %eq3A_79 = arith.cmpi eq, %get3A_9, %eq3A_78 : vector<256x512xi32>
    %slice3A_80 = vector.extract_strided_slice %get3A_4 {offsets = [11, 0, 0], sizes = [1, 256, 512], strides = [1, 1, 1]} : vector<19x256x512xf32> to vector<1x256x512xf32>
    %squeeze3A_81 = vector.shape_cast %slice3A_80 : vector<1x256x512xf32> to vector<256x512xf32>
    %select_n3A_82 = arith.select %eq3A_79, %squeeze3A_81, %select_n3A_76 : vector<256x512xi1>, vector<256x512xf32>
    %eq3A_83 = arith.constant 12 : i32
    %eq3A_84 = vector.broadcast %eq3A_83 : i32 to vector<256x512xi32>
    %eq3A_85 = arith.cmpi eq, %get3A_9, %eq3A_84 : vector<256x512xi32>
    %slice3A_86 = vector.extract_strided_slice %get3A_4 {offsets = [12, 0, 0], sizes = [1, 256, 512], strides = [1, 1, 1]} : vector<19x256x512xf32> to vector<1x256x512xf32>
    %squeeze3A_87 = vector.shape_cast %slice3A_86 : vector<1x256x512xf32> to vector<256x512xf32>
    %select_n3A_88 = arith.select %eq3A_85, %squeeze3A_87, %select_n3A_82 : vector<256x512xi1>, vector<256x512xf32>
    %eq3A_89 = arith.constant 13 : i32
    %eq3A_90 = vector.broadcast %eq3A_89 : i32 to vector<256x512xi32>
    %eq3A_91 = arith.cmpi eq, %get3A_9, %eq3A_90 : vector<256x512xi32>
    %slice3A_92 = vector.extract_strided_slice %get3A_4 {offsets = [13, 0, 0], sizes = [1, 256, 512], strides = [1, 1, 1]} : vector<19x256x512xf32> to vector<1x256x512xf32>
    %squeeze3A_93 = vector.shape_cast %slice3A_92 : vector<1x256x512xf32> to vector<256x512xf32>
    %select_n3A_94 = arith.select %eq3A_91, %squeeze3A_93, %select_n3A_88 : vector<256x512xi1>, vector<256x512xf32>
    %eq3A_95 = arith.constant 14 : i32
    %eq3A_96 = vector.broadcast %eq3A_95 : i32 to vector<256x512xi32>
    %eq3A_97 = arith.cmpi eq, %get3A_9, %eq3A_96 : vector<256x512xi32>
    %slice3A_98 = vector.extract_strided_slice %get3A_4 {offsets = [14, 0, 0], sizes = [1, 256, 512], strides = [1, 1, 1]} : vector<19x256x512xf32> to vector<1x256x512xf32>
    %squeeze3A_99 = vector.shape_cast %slice3A_98 : vector<1x256x512xf32> to vector<256x512xf32>
    %select_n3A_100 = arith.select %eq3A_97, %squeeze3A_99, %select_n3A_94 : vector<256x512xi1>, vector<256x512xf32>
    %eq3A_101 = arith.constant 15 : i32
    %eq3A_102 = vector.broadcast %eq3A_101 : i32 to vector<256x512xi32>
    %eq3A_103 = arith.cmpi eq, %get3A_9, %eq3A_102 : vector<256x512xi32>
    %slice3A_104 = vector.extract_strided_slice %get3A_4 {offsets = [15, 0, 0], sizes = [1, 256, 512], strides = [1, 1, 1]} : vector<19x256x512xf32> to vector<1x256x512xf32>
    %squeeze3A_105 = vector.shape_cast %slice3A_104 : vector<1x256x512xf32> to vector<256x512xf32>
    %select_n3A_106 = arith.select %eq3A_103, %squeeze3A_105, %select_n3A_100 : vector<256x512xi1>, vector<256x512xf32>
    %eq3A_107 = arith.constant 16 : i32
    %eq3A_108 = vector.broadcast %eq3A_107 : i32 to vector<256x512xi32>
    %eq3A_109 = arith.cmpi eq, %get3A_9, %eq3A_108 : vector<256x512xi32>
    %slice3A_110 = vector.extract_strided_slice %get3A_4 {offsets = [16, 0, 0], sizes = [1, 256, 512], strides = [1, 1, 1]} : vector<19x256x512xf32> to vector<1x256x512xf32>
    %squeeze3A_111 = vector.shape_cast %slice3A_110 : vector<1x256x512xf32> to vector<256x512xf32>
    %select_n3A_112 = arith.select %eq3A_109, %squeeze3A_111, %select_n3A_106 : vector<256x512xi1>, vector<256x512xf32>
    %eq3A_113 = arith.constant 17 : i32
    %eq3A_114 = vector.broadcast %eq3A_113 : i32 to vector<256x512xi32>
    %eq3A_115 = arith.cmpi eq, %get3A_9, %eq3A_114 : vector<256x512xi32>
    %slice3A_116 = vector.extract_strided_slice %get3A_4 {offsets = [17, 0, 0], sizes = [1, 256, 512], strides = [1, 1, 1]} : vector<19x256x512xf32> to vector<1x256x512xf32>
    %squeeze3A_117 = vector.shape_cast %slice3A_116 : vector<1x256x512xf32> to vector<256x512xf32>
    %select_n3A_118 = arith.select %eq3A_115, %squeeze3A_117, %select_n3A_112 : vector<256x512xi1>, vector<256x512xf32>
    %eq3A_119 = arith.constant 18 : i32
    %eq3A_120 = vector.broadcast %eq3A_119 : i32 to vector<256x512xi32>
    %eq3A_121 = arith.cmpi eq, %get3A_9, %eq3A_120 : vector<256x512xi32>
    %slice3A_122 = vector.extract_strided_slice %get3A_4 {offsets = [18, 0, 0], sizes = [1, 256, 512], strides = [1, 1, 1]} : vector<19x256x512xf32> to vector<1x256x512xf32>
    %squeeze3A_123 = vector.shape_cast %slice3A_122 : vector<1x256x512xf32> to vector<256x512xf32>
    %select_n3A_124 = arith.select %eq3A_121, %squeeze3A_123, %select_n3A_118 : vector<256x512xi1>, vector<256x512xf32>
    %log3A = math.log %reduce_sum3A_12 : vector<256x512xf32>
    %add3A = arith.addf %log3A, %reduce_max3A_10 : vector<256x512xf32>
    %sub3A_125 = arith.subf %add3A, %select_n3A_124 : vector<256x512xf32>
    %eq3A_126 = arith.constant 255 : i32
    %eq3A_127 = vector.broadcast %eq3A_126 : i32 to vector<256x512xi32>
    %eq3A_128 = arith.cmpi eq, %get3A_9, %eq3A_127 : vector<256x512xi32>
    %jit3A = arith.constant 0.000000e+00 : f32
    %broadcast_in_dim3A_129 = vector.broadcast %jit3A : f32 to vector<256x512xf32>
    %select_n3A_130 = arith.select %eq3A_128, %broadcast_in_dim3A_129, %sub3A_125 : vector<256x512xi1>, vector<256x512xf32>
    %slice3A_131 = vector.extract_strided_slice %select_n3A_130 {offsets = [0, 0], sizes = [256, 128], strides = [1, 1]} : vector<256x512xf32> to vector<256x128xf32>
    %swap3A = arith.constant 0 : index
    %swap3A_132 = arith.constant 0 : index
    %swap3A_133 = vector.load %arg4[%swap3A, %swap3A_132] : memref<1024x128xf32, #tpu.memory_space<vmem>>, vector<256x128xf32>
    tpu.vector_store %arg4[%swap3A, %swap3A_132], %slice3A_131 {strides = array<i32>} : memref<1024x128xf32, #tpu.memory_space<vmem>>, vector<256x128xf32>,
    %slice3A_134 = vector.extract_strided_slice %select_n3A_130 {offsets = [0, 128], sizes = [256, 128], strides = [1, 1]} : vector<256x512xf32> to vector<256x128xf32>
    %swap3A_135 = arith.constant 256 : index
    %swap3A_136 = arith.constant 0 : index
    %swap3A_137 = vector.load %arg4[%swap3A_135, %swap3A_136] : memref<1024x128xf32, #tpu.memory_space<vmem>>, vector<256x128xf32>
    tpu.vector_store %arg4[%swap3A_135, %swap3A_136], %slice3A_134 {strides = array<i32>} : memref<1024x128xf32, #tpu.memory_space<vmem>>, vector<256x128xf32>,
    %slice3A_138 = vector.extract_strided_slice %select_n3A_130 {offsets = [0, 256], sizes = [256, 128], strides = [1, 1]} : vector<256x512xf32> to vector<256x128xf32>
    %swap3A_139 = arith.constant 512 : index
    %swap3A_140 = arith.constant 0 : index
    %swap3A_141 = vector.load %arg4[%swap3A_139, %swap3A_140] : memref<1024x128xf32, #tpu.memory_space<vmem>>, vector<256x128xf32>
    tpu.vector_store %arg4[%swap3A_139, %swap3A_140], %slice3A_138 {strides = array<i32>} : memref<1024x128xf32, #tpu.memory_space<vmem>>, vector<256x128xf32>,
    %slice3A_142 = vector.extract_strided_slice %select_n3A_130 {offsets = [0, 384], sizes = [256, 128], strides = [1, 1]} : vector<256x512xf32> to vector<256x128xf32>
    %swap3A_143 = arith.constant 768 : index
    %swap3A_144 = arith.constant 0 : index
    %swap3A_145 = vector.load %arg4[%swap3A_143, %swap3A_144] : memref<1024x128xf32, #tpu.memory_space<vmem>>, vector<256x128xf32>
    tpu.vector_store %arg4[%swap3A_143, %swap3A_144], %slice3A_142 {strides = array<i32>} : memref<1024x128xf32, #tpu.memory_space<vmem>>, vector<256x128xf32>,
    return
  }
  func.func @transform_0(%arg0: i32, %arg1: i32) -> (i32, i32, i32, i32) {
    %add3A = arith.constant 0 : i32
    %add3A_0 = arith.addi %arg0, %add3A : i32
    %c0_i32 = arith.constant 0 : i32
    %c0_i32_1 = arith.constant 0 : i32
    %c0_i32_2 = arith.constant 0 : i32
    return %add3A_0, %c0_i32, %arg1, %c0_i32_1 : i32, i32, i32, i32
  }
  func.func @transform_1(%arg0: i32, %arg1: i32) -> (i32, i32, i32) {
    %add3A = arith.constant 0 : i32
    %add3A_0 = arith.addi %arg0, %add3A : i32
    %c0_i32 = arith.constant 0 : i32
    %c0_i32_1 = arith.constant 0 : i32
    return %add3A_0, %arg1, %c0_i32 : i32, i32, i32
  }
  func.func @transform_2(%arg0: i32, %arg1: i32) -> (i32, i32) {
    %mul3A = arith.constant 2 : i32
    %mul3A_0 = arith.muli %arg0, %mul3A : i32
    %add3A = arith.addi %mul3A_0, %arg1 : i32
    %c0_i32 = arith.constant 0 : i32
    %c0_i32_1 = arith.constant 0 : i32
    return %add3A, %c0_i32 : i32, i32
  }
}

</mosaic_0001>

<sc_bundles>
// kernel: kernel.11.cloned.1.call-start
scs
__scs_entry_jumppad:
0x0: {  	(pc) =	sbr.rel $0x88, $3  }
0x1: {  	(tag) =	ssettag $0x0;
	lr =	simm.s32 $0x1  }
0x2: {  	[smem:$0x3F9F] =	sst lr;
	_ =	strace $0xD0000000  }
0x3: {  	_ = 	snop  }
0x4: {  	_ = 	snop  }
0x5: {  	_ = 	snop  }
0x6: {  	_ = 	snop  }
0x7: {  	_ = 	snop  }
__scs_overlays_trampoline_lowered:
0x8: {  	[smem:$0x3FAE] =	sst s0  }
0x9: {  	[smem:$0x3FAF] =	sst s1  }
0xa: {  	[smem:$0x3FB0] =	sst s2  }
0xb: {  	[smem:$0x3FB1] =	sst s3  }
0xc: {  	[smem:$0x3FB2] =	sst s4  }
0xd: {  	[smem:$0x3FB3] =	sst s5  }
0xe: {  	[smem:$0x3FB4] =	sst s6  }
0xf: {  	[smem:$0x3FB5] =	sst s7  }
0x10: {  	[smem:$0x3FB6] =	sst s8  }
0x11: {  	[smem:$0x3FB7] =	sst s9;
	s0 =	simm.s32 @!p0 $0x0  }
0x12: {  	s1 =	sld [smem:$0x3F9D];
	s0 =	simm.s32 @p0 $0x1  }
0x13: {  	[smem:$0x3FB8] =	sst s0;
	s0 =	simm.s32 @!p1 $0x0  }
0x14: {  	s2 =	sld [smem:$0x3F9C];
	s0 =	simm.s32 @p1 $0x1  }
0x15: {  	[smem:$0x3FB9] =	sst s0;
	s0 =	simm.s32 @!p2 $0x0  }
0x16: {  	s3 =	sld [smem:$0x3FDB];
	s0 =	simm.s32 @p2 $0x1  }
0x17: {  	s4 =	simm.s32 $0x1BF5;
	[smem:$0x3FBB] =	sst s0  }
0x18: {  	s0 =	sld [smem:$0x3F9E];
	_ =	swait.ge [sflag:s4], $0x0  }
0x19: {  	s7 =	sld [smem:$0x3F9F]  }
0x1a: {  	s8 =	sadd.s32 $0xFFFFE003, lr  }
0x1b: {  	s9 =	sadd.s32 $0xFFFFFEF7, lr;
	s5 =	simm.s32 $0xFFFFFFFF;
	p2 =	slt.u32 s8, $0xFFFFF086  }
0x1c: {  	p1 =	slt.u32 s9, $0xF7A;
	s5 =	simm.s32 @!p2 $0x0  }
0x1d: {  	s5 =	simm.s32 @p1 $0x1;
	p0 =	seq.s32 s7, s2  }
0x1e: {  	s7 =	smul.u32 @!p0 $0xF7A, s2;
	p2 =	seq.s32 @!p0 s5, $0x0  }
0x1f: {  	s9 =	smul.u32 $0xF7A, s1;
	s8 =	simm.s32 @!p0 $0x1BF5;
	p2 =	por !p2, p0  }
0x20: {  	[sflag:s8] =	ssyncset.s32 @!p0 $0xFFFFF086;
	s6 =	sadd.s32 @!p0 s3, s7;
	s7 =	simm.s32 @!p0 $0x108  }
0x21: {  	s3 =	sadd.s32 s3, s9;
	s6 =	sadd.s32 @!p0 $0x88, s6;
	s7 =	simm.s32 @p2 $0x1082  }
0x22: {  	[simem:s7], [sflag:s8] =	dma.local @!p0 [hbm:s6], $0xF7A  }
0x23: {  	s9 =	sor.u32 $0xD0000000, s2;
	s6 =	simm.s32 $0x108;
	_ =	swait.ge @!p0 [sflag:s8], $0x0  }
0x24: {  	s3 =	sadd.s32 $0x88, s3;
	s6 =	simm.s32 @!p1 $0x1082;
	[sflag:s4] =	ssyncset.s32 $0xFFFFF086  }
0x25: {  	[simem:s6], [sflag:s4] =	dma.local [hbm:s3], $0xF7A  }
0x26: {  	[smem:$0x3F9F] =	sst s1;
	(tag) =	ssettag s2;
	_ =	strace s9  }
0x27: {  	s1 =	sld [smem:$0x3FAF]  }
0x28: {  	s2 =	sld [smem:$0x3FB0]  }
0x29: {  	s4 =	sld [smem:$0x3FB2]  }
0x2a: {  	p0 =	seq.s32 s5, $0x0;
	s5 =	sld [smem:$0x3FB3]  }
0x2b: {  	s6 =	sld [smem:$0x3FB4]  }
0x2c: {  	s7 =	sld [smem:$0x3FB5]  }
0x2d: {  	s3 =	simm.s32 $0x108;
	s8 =	sld [smem:$0x3FB6]  }
0x2e: {  	s3 =	simm.s32 @!p0 $0x1082;
	s9 =	sld [smem:$0x3FB7]  }
0x2f: {  	lr =	sadd.s32 s0, s3;
	s0 =	sld [smem:$0x3FAE]  }
0x30: {  	s3 =	sld [smem:$0x3FB1]  }
0x31: {  	[smem:$0x3FBA] =	sst s10  }
0x32: {  	s10 =	sld [smem:$0x3FB8];
	_ =	sdelay $0x3  }
0x33: {  	p0 =	seq.s32 s10, $0x1;
	s10 =	sld [smem:$0x3FBA];
	_ =	sdelay $0x3  }
0x34: {  	[smem:$0x3FBA] =	sst s10  }
0x35: {  	s10 =	sld [smem:$0x3FB9];
	_ =	sdelay $0x3  }
0x36: {  	p1 =	seq.s32 s10, $0x1;
	s10 =	sld [smem:$0x3FBA];
	_ =	sdelay $0x3  }
0x37: {  	[smem:$0x3FBA] =	sst s10  }
0x38: {  	s10 =	sld [smem:$0x3FBB]  }
0x39: {  	_ = 	snop;
	(pc) =	sbr.ind lr, $3  }
0x3a: {  	_ = 	snop  }
0x3b: {  	_ = 	snop  }
0x3c: {  	p2 =	seq.s32 s10, $0x1;
	s10 =	sld [smem:$0x3FBA]  }
0x3d: {  	_ =	shalt  }
0x3e: {  	_ =	shalt  }
0x3f: {  	_ =	shalt  }
0x40: {  	_ =	shalt  }
0x41: {  	_ =	shalt  }
0x42: {  	_ =	shalt  }
0x43: {  	_ =	shalt  }
0x44: {  	_ =	shalt  }
0x45: {  	_ =	shalt  }
0x46: {  	_ =	shalt  }
0x47: {  	_ =	shalt  }
0x48: {  	_ =	shalt  }
0x49: {  	_ =	shalt  }
0x4a: {  	_ =	shalt  }
0x4b: {  	_ =	shalt  }
0x4c: {  	_ =	shalt  }
0x4d: {  	_ =	shalt  }
0x4e: {  	_ =	shalt  }
0x4f: {  	_ =	shalt  }
0x50: {  	_ =	shalt  }
0x51: {  	_ =	shalt  }
0x52: {  	_ =	shalt  }
0x53: {  	_ =	shalt  }
0x54: {  	_ =	shalt  }
0x55: {  	_ =	shalt  }
0x56: {  	_ =	shalt  }
0x57: {  	_ =	shalt  }
0x58: {  	_ =	shalt  }
0x59: {  	_ =	shalt  }
0x5a: {  	_ =	shalt  }
0x5b: {  	_ =	shalt  }
0x5c: {  	_ =	shalt  }
0x5d: {  	_ =	shalt  }
0x5e: {  	_ =	shalt  }
0x5f: {  	_ =	shalt  }
0x60: {  	_ =	shalt  }
0x61: {  	_ =	shalt  }
0x62: {  	_ =	shalt  }
0x63: {  	_ =	shalt  }
0x64: {  	_ =	shalt  }
0x65: {  	_ =	shalt  }
0x66: {  	_ =	shalt  }
0x67: {  	_ =	shalt  }
0x68: {  	_ =	shalt  }
0x69: {  	_ =	shalt  }
0x6a: {  	_ =	shalt  }
0x6b: {  	_ =	shalt  }
0x6c: {  	_ =	shalt  }
0x6d: {  	_ =	shalt  }
0x6e: {  	_ =	shalt  }
0x6f: {  	_ =	shalt  }
0x70: {  	_ =	shalt  }
0x71: {  	_ =	shalt  }
0x72: {  	_ =	shalt  }
0x73: {  	_ =	shalt  }
0x74: {  	_ =	shalt  }
0x75: {  	_ =	shalt  }
0x76: {  	_ =	shalt  }
0x77: {  	_ =	shalt  }
0x78: {  	_ =	shalt  }
0x79: {  	_ =	shalt  }
0x7a: {  	_ =	shalt  }
0x7b: {  	_ =	shalt  }
0x7c: {  	_ =	shalt  }
0x7d: {  	_ =	shalt  }
0x7e: {  	_ =	shalt  }
0x7f: {  	_ =	shalt  }
0x80: {  	_ =	shalt  }
0x81: {  	_ =	shalt  }
0x82: {  	_ =	shalt  }
0x83: {  	_ =	shalt  }
0x84: {  	_ =	shalt  }
0x85: {  	_ =	shalt  }
0x86: {  	_ =	shalt  }
0x87: {  	_ =	shalt  }
.Lfunc_end0:
.L_simem_size_0:
called_computation.1_lowered:
.L_overlay_start_0:
0x88: {  	s2 =	sld [smem:$0x3FD9]  }
0x89: {  	s3 =	sld [smem:$0x3FFE];
	_ =	sdelay $0x1  }
0x8a: {  	s1 =	srdreg.scid  }
0x8b: {  	s0 =	sand.u32 $0x1, s1  }
0x8c: {  	s17 =	sshll.u32 s0, $0xA;
	s2 =	sadd.s32 s3, s2  }
0x8d: {  	s2 =	sadd.s32 s2, s17  }
0x8e: {  	[smem:$0x3FC6] =	sst s2  }
0x8f: {  	_ = 	snop  }
0x90: {  	(tm) =	ssettm $0x1  }
0x91: {  	s18 =	sld [smem:$0x3FFB];
	_ =	sdelay $0x3  }
0x92: {  	_ =	strace s18  }
0x93: {  	s2 =	sld [smem:$0x3FFC];
	_ =	sdelay $0x3  }
0x94: {  	_ =	strace s2  }
0x95: {  	s2 =	sld [smem:$0x3FFD];
	_ =	sdelay $0x3  }
0x96: {  	_ =	strace s2  }
0x97: {  	_ =	strace $0x8FFFFFFF  }
0x98: {  	s19 =	sld [smem:$0x3FDB];
	_ =	sdelay $0x1  }
0x99: {  	s20 =	simm.s32 $_scs_section_size  }
0x9a: {  	s4 =	simm.s32 $_size__tile_overlayer_lowered;
	s5 =	simm.s32 $_tile_overlayer_lowered  }
0x9b: {  	s6 =	simm.s32 $0x1BFF;
	s21 =	sshll.u32 s5, $0x1;
	s3 =	sadd.s32 s20, s19  }
0x9c: {  	s22 =	simm.s32 $0x0;
	s4 =	sshll.u32 s4, $0x1;
	s5 =	sadd.s32 s21, s3  }
0x9d: {  	[timem:s22], [sflag:s6] =	dma.local [hbm:s5], s4  }
0x9e: {  	_ =	swait.ge [sflag:s6], s4  }
0x9f: {  	s4 =	ssub.s32 $0x0, s4;
	[sflag:s6] =	ssyncset.done $0x0  }
0xa0: {  	[sflag:s6] =	ssyncadd.s32 s4;
	_ =	sdelay $0x1  }
0xa1: {  	s23 =	simm.s32 $0x1B8B  }
0xa2: {  	_ =	swait.ge [sflag:s23], $0x1  }
0xa3: {  	[sflag:s23] =	ssyncset.done $0x0  }
0xa4: {  	[sflag:s23] =	ssyncadd.s32 $0xFFFFFFFF  }
0xa5: {  	s4 =	sld [smem:$0x0]  }
0xa6: {  	s5 =	sand.u32 $0xFFFFFFFE, s1  }
0xa7: {  	p0 =	sne.s32 s1, s5  }
0xa8: {  	s5 =	sshll.u32 @p0 s5, $0xE  }
0xa9: {  	s5 =	sadd.s32 @p0 $0x11B8D, s5;
	s6 =	sshll.u32 @p0 s4, $0x11  }
0xaa: {  	s5 =	sor.u32 @p0 s6, s5  }
0xab: {  	[sflag:s5] =	ssyncadd.remote.s32 @p0 $0x1;
	_ =	sdelay $0x1  }
0xac: {  	s5 =	simm.s32 @p0 $0x1B8D  }
0xad: {  	_ =	swait.eq @p0 [sflag:s5], $0x1  }
0xae: {  	[sflag:s5] =	ssyncadd.s32 @p0 $0xFFFFFFFF  }
0xaf: {  	s6 =	sshll.u32 @!p0 s1, $0xE  }
0xb0: {  	s6 =	sor.u32 @!p0 $0x4000, s6;
	s5 =	simm.s32 @!p0 $0x1B8D  }
0xb1: {  	s4 =	sshll.u32 @!p0 s4, $0x11;
	s6 =	sadd.s32 @!p0 $0x11B8D, s6;
	_ =	swait.eq @!p0 [sflag:s5], $0x1  }
0xb2: {  	s4 =	sor.u32 @!p0 s4, s6;
	[sflag:s5] =	ssyncadd.s32 @!p0 $0xFFFFFFFF  }
0xb3: {  	s25 =	simm.s32 $0x1B8E;
	s24 =	sld [smem:$0x3FFE];
	[sflag:s4] =	ssyncadd.remote.s32 @!p0 $0x1  }
0xb4: {  	s26 =	simm.s32 $execute0_lowered;
	[smem:$0x3FD2] =	sst s25  }
0xb5: {  	s5 =	sshll.u32 s26, $0x1;
	_ =	strace $0x80000049;
	[dreg:$0x1] =	wrdreg $0xFFFFFFFF  }
0xb6: {  	s28 =	simm.s32 $_size_execute0_lowered;
	s3 =	sadd.s32 s3, s5;
	[dreg:$0x0] =	wrdreg $0x0  }
0xb7: {  	s5 =	sshll.u32 s28, $0x1;
	[dreg:$0x2] =	wrdreg s3  }
0xb8: {  	[dreg:$0x3] =	wrdreg s5  }
0xb9: {  	[dreg:$0x4] =	wrdreg $0xC0  }
0xba: {  	_ =	task [dreg:s22], $0x5FFFF  }
0xbb: {  	[dreg:$0x1] =	wrdreg $0xFFFFFFFF  }
0xbc: {  	[dreg:$0x0] =	wrdreg $0x60  }
0xbd: {  	[dreg:$0x2] =	wrdreg s24  }
0xbe: {  	[dreg:$0x3] =	wrdreg $0xA  }
0xbf: {  	_ =	task.clear_ibuf [dreg:s22], $0x4FFFF;
	_ =	strace $0x90000049  }
0xc0: {  	s29 =	simm.s32 $0xA;
	_ =	strace $0x8000004B  }
0xc1: {  	_ =	swait.ge [sflag:s29], $0x1  }
0xc2: {  	[sflag:s29] =	ssyncadd.s32 $0xFFFFFFFF  }
0xc3: {  	_ =	strace $0x9000004B  }
0xc4: {  	_ =	sfence  }
0xc5: {  	s30 =	sld [smem:$0x0];
	_ =	sdelay $0x2  }
0xc6: {  	s31 =	sshll.u32 s1, $0xD;
	s1 =	sshrl.u32 s1, $0x2  }
0xc7: {  	s4 =	sand.u32 $0x4000, s31;
	s1 =	sadd.s32 s1, s30  }
0xc8: {  	s0 =	sor.u32 s4, s0;
	s1 =	sshll.u32 s1, $0x11  }
0xc9: {  	s0 =	sor.u32 s1, s0  }
0xca: {  	s0 =	sadd.s32 $0x8F2B, s0  }
0xcb: {  	[sflag:s0] =	ssyncadd.remote.s32 $0x1  }
0xcc: {  	_ =	sfence.sel $0xFFFF  }
0xcd: {  	[dreg:$0x0] =	wrdreg $0xFFFFFFFF;
	(pc) =	sbr.abs _section_cstart, $3  }
0xce: {  	[dreg:$0x1] =	wrdreg $0xFFFFFFFF  }
0xcf: {  	_ =	task.clear_ibuf [dreg:s22], $0x2FFFF;
	_ =	strace $0x9FFFFFFF  }
0xd0: {  	(tm) =	ssettm $0x7FFFFFFF  }
0xd1: {  	_ =	shalt  }
tec
execute0_lowered:
.L_overlay_start_1:
0x0: {  	(tag) =	ssettag $0x1  }
0x1: {  	s3 =	rddreg [dreg:$0x0]  }
0x2: {  	s0 =	rddreg [dreg:$0x1];
	s4 =	srdreg.scid  }
0x3: {  	s2 =	simm.s32 $0x0;
	s1 =	stileid.u32;
	s9 =	simm.s32 $0x1  }
0x4: {  	s10 =	simm.s32 $0x4000;
	s11 =	simm.s32 $0x8000;
	s12 =	simm.s32 $0x2  }
0x5: {  	s13 =	simm.s32 $0x3;
	s14 =	simm.s32 $0x0;
	s4 =	sand.u32 $0x1, s4  }
0x6: {  	s5 =	sshll.u32 s1, $0xC;
	s6 =	sshll.u32 s4, $0xB;
	s4 =	ssub.s32 $0x2, s4  }
0x7: {  	[smem:$0x7FF] =	sst s2;
	s5 =	sor.u32 s6, s5;
	s31 =	sshrl.u32 s4, $0x1  }
0x8: {  	_ =	strace $0x8000004A;
	s7 =	sadd.s32 s5, s3;
	s8 =	ssub.s32 s4, s31  }
0x9: {  	s3 =	sadd.s32 $0x52000, s7;
	s4 =	sadd.s32 $0x52400, s7;
	s5 =	sadd.s32 $0x62000, s7  }
0xa: {  	v0 =	vimm.f32 $0.0e+00;
	v1 =	vlaneseq.u32;
	v2 =	vimm.f32 $1.000000000e+00;
	s6 =	sadd.s32 $0x72000, s7;
	s7 =	smax.u32 s8, $0x1;
	s8 =	simm.s32 $0x2000  }
.LBB2_1:
0xb: {  	[tilespmem:s2], [sflag:$0x1] =	stream.linear.gather [hbm4b:s3+s2], $0x2000, $0x38;
	[tilespmem:$0xC000] =	vst v63  }
0xc: {  	s15 =	simm.s32 $0x4040  }
0xd: {  	[tilespmem:s15+$0x30] =	vst v0  }
0xe: {  	[tilespmem:s15+$0xFFFFFFF0] =	vst v0  }
0xf: {  	[tilespmem:s15+$0xFFFFFFC0] =	vst v0  }
0x10: {  	[tilespmem:s15+$0xFFFFFFE0] =	vst v0  }
0x11: {  	[tilespmem:s15+$0x10] =	vst v0  }
0x12: {  	[tilespmem:s15+$0x20] =	vst v0  }
0x13: {  	[tilespmem:s15+$0x0] =	vst v0  }
0x14: {  	s16 =	simm.s32 $0x8040;
	[tilespmem:s15+$0xFFFFFFD0] =	vst v0  }
0x15: {  	[tilespmem:s16+$0xFFFFFFC0] =	vst v0  }
0x16: {  	[tilespmem:s16+$0x30] =	vst v0  }
0x17: {  	[tilespmem:s16+$0x20] =	vst v0  }
0x18: {  	[tilespmem:s16+$0x10] =	vst v0  }
0x19: {  	[tilespmem:s16+$0xFFFFFFE0] =	vst v0  }
0x1a: {  	[tilespmem:s16+$0x0] =	vst v0  }
0x1b: {  	s17 =	simm.s32 $0x0;
	[tilespmem:s16+$0xFFFFFFF0] =	vst v0  }
.LBB2_2:
0x1c: {  	s17 =	sadd.s32 $0x8, s17;
	[tilespmem:s16+$0xFFFFFFD0] =	vst v0;
	s15 =	sadd.s32 $0x80, s15;
	s16 =	sadd.s32 $0x80, s16  }
0x1d: {  	[tilespmem:s15+$0x30] =	vst v0;
	p0 =	slt.u32 s17, $0x3F8  }
0x1e: {  	[tilespmem:s15+$0xFFFFFFF0] =	vst v0  }
0x1f: {  	[tilespmem:s15+$0xFFFFFFC0] =	vst v0  }
0x20: {  	[tilespmem:s16+$0xFFFFFFC0] =	vst v0  }
0x21: {  	[tilespmem:s16+$0x30] =	vst v0  }
0x22: {  	[tilespmem:s15+$0xFFFFFFE0] =	vst v0  }
0x23: {  	[tilespmem:s15+$0x10] =	vst v0  }
0x24: {  	[tilespmem:s15+$0x20] =	vst v0  }
0x25: {  	[tilespmem:s16+$0x20] =	vst v0  }
0x26: {  	[tilespmem:s16+$0x10] =	vst v0  }
.Ltmp0:
0x27: {  	[tilespmem:s16+$0xFFFFFFE0] =	vst v0;
	(pc) =	sbr.rel @p0 .LBB2_2-.Ltmp0, $4  }
0x28: {  	[tilespmem:s15+$0x0] =	vst v0  }
0x29: {  	[tilespmem:s16+$0x0] =	vst v0  }
0x2a: {  	[tilespmem:s16+$0xFFFFFFF0] =	vst v0  }
0x2b: {  	[tilespmem:s15+$0xFFFFFFD0] =	vst v0  }
0x2c: {  	[tilespmem:s16+$0xFFFFFFD0] =	vst v0  }
0x2d: {  	[tilespmem:s8], [sflag:$0x2] =	stream.linear.gather [hbm4b:s4+s2], $0x2000, $0x38;
	[tilespmem:$0xC000] =	vst v63  }
0x2e: {  	_ =	swait.ge [sflag:s9], $0x2000  }
0x2f: {  	[sflag:s9] =	ssyncset.done $0x0  }
0x30: {  	s15 =	simm.s32 $0x40;
	[sflag:s9] =	ssyncadd.s32 $0xFFFFE000  }
0x31: {  	v5 =	vld [tilespmem:s15+$0x30]  }
0x32: {  	v7 =	vld [tilespmem:s15+$0xFFFFFFE0];
	_ =	sdelay $0x1  }
0x33: {  	v6 =	vld [tilespmem:s15+$0xFFFFFFD0];
	_ =	sdelay $0x1  }
0x34: {  	v8 =	vld [tilespmem:s15+$0xFFFFFFF0];
	v3 =	vshrl.u32 v5, $0x11  }
0x35: {  	v12 =	vshrl.u32 v7, $0x11;
	v3 =	vand.u32 $0x7FF0, v3  }
0x36: {  	v12 =	vand.u32 $0x7FF0, v12;
	v10 =	vor.u32 v1, v3  }
0x37: {  	v9 =	vld [tilespmem:s15+$0xFFFFFFC0];
	v4 =	vshrl.u32 v6, $0x11;
	v12 =	vor.u32 v1, v12  }
0x38: {  	v11 =	vld [tilespmem:s15+$0x0];
	v3 =	vand.u32 $0x7FF0, v4  }
0x39: {  	v14 =	vshrl.u32 v8, $0x11;
	v4 =	vld [tilespmem:s15+$0x10];
	v13 =	vor.u32 v1, v3  }
0x3a: {  	v14 =	vand.u32 $0x7FF0, v14;
	v3 =	vld [tilespmem:s15+$0x20]  }
0x3b: {  	v14 =	vor.u32 v1, v14;
	[tilespmem:v10+s10+$0x0] =	vst.idx.add.f32.msk $0xffff, v2  }
0x3c: {  	v15 =	vshrl.u32 v9, $0x11;
	[tilespmem:v12+s10+$0x0] =	vst.idx.add.f32.msk $0xffff, v2  }
0x3d: {  	v15 =	vand.u32 $0x7FF0, v15;
	[tilespmem:v10+s11+$0x0] =	vst.idx.add.f32.msk $0xffff, v5  }
0x3e: {  	v63 =	vshrl.u32 v11, $0x11;
	v5 =	vor.u32 v1, v15;
	[tilespmem:v13+s10+$0x0] =	vst.idx.add.f32.msk $0xffff, v2  }
0x3f: {  	[tilespmem:v13+s11+$0x0] =	vst.idx.add.f32.msk $0xffff, v6;
	v6 =	vand.u32 $0x7FF0, v63  }
0x40: {  	[tilespmem:v14+s10+$0x0] =	vst.idx.add.f32.msk $0xffff, v2;
	v10 =	vor.u32 v1, v6  }
0x41: {  	[tilespmem:v12+s11+$0x0] =	vst.idx.add.f32.msk $0xffff, v7  }
0x42: {  	[tilespmem:v14+s11+$0x0] =	vst.idx.add.f32.msk $0xffff, v8  }
0x43: {  	[tilespmem:v5+s10+$0x0] =	vst.idx.add.f32.msk $0xffff, v2  }
0x44: {  	v6 =	vshrl.u32 v3, $0x11;
	[tilespmem:v5+s11+$0x0] =	vst.idx.add.f32.msk $0xffff, v9;
	v5 =	vshrl.u32 v4, $0x11  }
0x45: {  	v7 =	vand.u32 $0x7FF0, v6;
	v5 =	vand.u32 $0x7FF0, v5;
	[tilespmem:v10+s10+$0x0] =	vst.idx.add.f32.msk $0xffff, v2  }
0x46: {  	s16 =	simm.s32 $0xC0;
	s15 =	simm.s32 $0x0;
	v6 =	vor.u32 v1, v5;
	v5 =	vor.u32 v1, v7;
	[tilespmem:v10+s11+$0x0] =	vst.idx.add.f32.msk $0xffff, v11  }
.LBB2_4:
0x47: {  	v7 =	vld [tilespmem:s16+$0x30]  }
0x48: {  	s15 =	sadd.s32 $0x8, s15;
	v8 =	vld [tilespmem:s16+$0xFFFFFFD0]  }
0x49: {  	p0 =	slt.u32 s15, $0x1F8;
	v9 =	vld [tilespmem:s16+$0xFFFFFFE0]  }
0x4a: {  	v10 =	vld [tilespmem:s16+$0xFFFFFFF0]  }
0x4b: {  	v11 =	vld [tilespmem:s16+$0x0]  }
0x4c: {  	v12 =	vld [tilespmem:s16+$0x10];
	v13 =	vshrl.u32 v7, $0x11  }
0x4d: {  	v14 =	vshrl.u32 v8, $0x11;
	v15 =	vld [tilespmem:s16+$0x20];
	v13 =	vand.u32 $0x7FF0, v13  }
0x4e: {  	v16 =	vld [tilespmem:s16+$0xFFFFFFC0];
	v14 =	vand.u32 $0x7FF0, v14;
	v17 =	vshrl.u32 v9, $0x11;
	v13 =	vor.u32 v1, v13  }
0x4f: {  	v14 =	vor.u32 v1, v14;
	v17 =	vand.u32 $0x7FF0, v17;
	v18 =	vshrl.u32 v10, $0x11;
	[tilespmem:v6+s10+$0x0] =	vst.idx.add.f32.msk $0xffff, v2  }
0x50: {  	v17 =	vor.u32 v1, v17;
	v18 =	vand.u32 $0x7FF0, v18;
	v19 =	vshrl.u32 v11, $0x11;
	[tilespmem:v6+s11+$0x0] =	vst.idx.add.f32.msk $0xffff, v4  }
0x51: {  	v18 =	vor.u32 v1, v18;
	v6 =	vand.u32 $0x7FF0, v19;
	v19 =	vshrl.u32 v12, $0x11;
	[tilespmem:v5+s10+$0x0] =	vst.idx.add.f32.msk $0xffff, v2;
	v4 =	vmovc v12  }
0x52: {  	v12 =	vor.u32 v1, v6;
	v6 =	vand.u32 $0x7FF0, v19;
	v19 =	vshrl.u32 v15, $0x11;
	[tilespmem:v5+s11+$0x0] =	vst.idx.add.f32.msk $0xffff, v3;
	v3 =	vmovc v15  }
0x53: {  	v5 =	vshrl.u32 v16, $0x11;
	v6 =	vor.u32 v1, v6;
	v15 =	vand.u32 $0x7FF0, v19;
	[tilespmem:v13+s10+$0x0] =	vst.idx.add.f32.msk $0xffff, v2  }
0x54: {  	v19 =	vand.u32 $0x7FF0, v5;
	v5 =	vor.u32 v1, v15;
	[tilespmem:v13+s11+$0x0] =	vst.idx.add.f32.msk $0xffff, v7  }
0x55: {  	v7 =	vor.u32 v1, v19;
	[tilespmem:v14+s10+$0x0] =	vst.idx.add.f32.msk $0xffff, v2  }
0x56: {  	[tilespmem:v14+s11+$0x0] =	vst.idx.add.f32.msk $0xffff, v8  }
0x57: {  	[tilespmem:v17+s10+$0x0] =	vst.idx.add.f32.msk $0xffff, v2  }
0x58: {  	[tilespmem:v17+s11+$0x0] =	vst.idx.add.f32.msk $0xffff, v9  }
0x59: {  	[tilespmem:v18+s10+$0x0] =	vst.idx.add.f32.msk $0xffff, v2  }
.Ltmp1:
0x5a: {  	[tilespmem:v7+s10+$0x0] =	vst.idx.add.f32.msk $0xffff, v2;
	(pc) =	sbr.rel @p0 .LBB2_4-.Ltmp1, $4  }
0x5b: {  	[tilespmem:v7+s11+$0x0] =	vst.idx.add.f32.msk $0xffff, v16  }
0x5c: {  	[tilespmem:v18+s11+$0x0] =	vst.idx.add.f32.msk $0xffff, v10  }
0x5d: {  	[tilespmem:v12+s10+$0x0] =	vst.idx.add.f32.msk $0xffff, v2  }
0x5e: {  	s16 =	sadd.s32 $0x80, s16;
	[tilespmem:v12+s11+$0x0] =	vst.idx.add.f32.msk $0xffff, v11  }
0x5f: {  	_ =	sdelay $0x3  }
0x60: {  	[tilespmem:v6+s10+$0x0] =	vst.idx.add.f32.msk $0xffff, v2  }
0x61: {  	[tilespmem:v5+s10+$0x0] =	vst.idx.add.f32.msk $0xffff, v2  }
0x62: {  	[tilespmem:v6+s11+$0x0] =	vst.idx.add.f32.msk $0xffff, v4  }
0x63: {  	[tilespmem:v5+s11+$0x0] =	vst.idx.add.f32.msk $0xffff, v3  }
0x64: {  	_ =	swait.ge [sflag:s12], $0x2000  }
0x65: {  	[sflag:s12] =	ssyncset.done $0x0  }
0x66: {  	s15 =	simm.s32 $0x2040;
	[sflag:s12] =	ssyncadd.s32 $0xFFFFE000  }
0x67: {  	v5 =	vld [tilespmem:s15+$0x30]  }
0x68: {  	v7 =	vld [tilespmem:s15+$0xFFFFFFE0];
	_ =	sdelay $0x1  }
0x69: {  	v6 =	vld [tilespmem:s15+$0xFFFFFFD0];
	_ =	sdelay $0x1  }
0x6a: {  	v8 =	vld [tilespmem:s15+$0xFFFFFFF0];
	v3 =	vshrl.u32 v5, $0x11  }
0x6b: {  	v12 =	vshrl.u32 v7, $0x11;
	v3 =	vand.u32 $0x7FF0, v3  }
0x6c: {  	v12 =	vand.u32 $0x7FF0, v12;
	v10 =	vor.u32 v1, v3  }
0x6d: {  	v9 =	vld [tilespmem:s15+$0xFFFFFFC0];
	v4 =	vshrl.u32 v6, $0x11;
	v12 =	vor.u32 v1, v12  }
0x6e: {  	v11 =	vld [tilespmem:s15+$0x0];
	v3 =	vand.u32 $0x7FF0, v4  }
0x6f: {  	v14 =	vshrl.u32 v8, $0x11;
	v4 =	vld [tilespmem:s15+$0x10];
	v13 =	vor.u32 v1, v3  }
0x70: {  	v14 =	vand.u32 $0x7FF0, v14;
	v3 =	vld [tilespmem:s15+$0x20]  }
0x71: {  	v14 =	vor.u32 v1, v14;
	[tilespmem:v10+s10+$0x0] =	vst.idx.add.f32.msk $0xffff, v2  }
0x72: {  	v15 =	vshrl.u32 v9, $0x11;
	[tilespmem:v12+s10+$0x0] =	vst.idx.add.f32.msk $0xffff, v2  }
0x73: {  	v15 =	vand.u32 $0x7FF0, v15;
	[tilespmem:v10+s11+$0x0] =	vst.idx.add.f32.msk $0xffff, v5  }
0x74: {  	v63 =	vshrl.u32 v11, $0x11;
	v5 =	vor.u32 v1, v15;
	[tilespmem:v13+s10+$0x0] =	vst.idx.add.f32.msk $0xffff, v2  }
0x75: {  	[tilespmem:v13+s11+$0x0] =	vst.idx.add.f32.msk $0xffff, v6;
	v6 =	vand.u32 $0x7FF0, v63  }
0x76: {  	[tilespmem:v14+s10+$0x0] =	vst.idx.add.f32.msk $0xffff, v2;
	v10 =	vor.u32 v1, v6  }
0x77: {  	[tilespmem:v12+s11+$0x0] =	vst.idx.add.f32.msk $0xffff, v7  }
0x78: {  	[tilespmem:v14+s11+$0x0] =	vst.idx.add.f32.msk $0xffff, v8  }
0x79: {  	[tilespmem:v5+s10+$0x0] =	vst.idx.add.f32.msk $0xffff, v2  }
0x7a: {  	v6 =	vshrl.u32 v3, $0x11;
	[tilespmem:v5+s11+$0x0] =	vst.idx.add.f32.msk $0xffff, v9;
	v5 =	vshrl.u32 v4, $0x11  }
0x7b: {  	v7 =	vand.u32 $0x7FF0, v6;
	v5 =	vand.u32 $0x7FF0, v5;
	[tilespmem:v10+s10+$0x0] =	vst.idx.add.f32.msk $0xffff, v2  }
0x7c: {  	s16 =	simm.s32 $0x20C0;
	s15 =	simm.s32 $0x0;
	v6 =	vor.u32 v1, v5;
	v5 =	vor.u32 v1, v7;
	[tilespmem:v10+s11+$0x0] =	vst.idx.add.f32.msk $0xffff, v11  }
.LBB2_6:
0x7d: {  	v7 =	vld [tilespmem:s16+$0x30]  }
0x7e: {  	s15 =	sadd.s32 $0x8, s15;
	v8 =	vld [tilespmem:s16+$0xFFFFFFD0]  }
0x7f: {  	p0 =	slt.u32 s15, $0x1F8;
	v9 =	vld [tilespmem:s16+$0xFFFFFFE0]  }
0x80: {  	v10 =	vld [tilespmem:s16+$0xFFFFFFF0]  }
0x81: {  	v11 =	vld [tilespmem:s16+$0x0]  }
0x82: {  	v12 =	vld [tilespmem:s16+$0x10];
	v13 =	vshrl.u32 v7, $0x11  }
0x83: {  	v14 =	vshrl.u32 v8, $0x11;
	v15 =	vld [tilespmem:s16+$0x20];
	v13 =	vand.u32 $0x7FF0, v13  }
0x84: {  	v16 =	vld [tilespmem:s16+$0xFFFFFFC0];
	v14 =	vand.u32 $0x7FF0, v14;
	v17 =	vshrl.u32 v9, $0x11;
	v13 =	vor.u32 v1, v13  }
0x85: {  	v14 =	vor.u32 v1, v14;
	v17 =	vand.u32 $0x7FF0, v17;
	v18 =	vshrl.u32 v10, $0x11;
	[tilespmem:v6+s10+$0x0] =	vst.idx.add.f32.msk $0xffff, v2  }
0x86: {  	v17 =	vor.u32 v1, v17;
	v18 =	vand.u32 $0x7FF0, v18;
	v19 =	vshrl.u32 v11, $0x11;
	[tilespmem:v6+s11+$0x0] =	vst.idx.add.f32.msk $0xffff, v4  }
0x87: {  	v18 =	vor.u32 v1, v18;
	v6 =	vand.u32 $0x7FF0, v19;
	v19 =	vshrl.u32 v12, $0x11;
	[tilespmem:v5+s10+$0x0] =	vst.idx.add.f32.msk $0xffff, v2;
	v4 =	vmovc v12  }
0x88: {  	v12 =	vor.u32 v1, v6;
	v6 =	vand.u32 $0x7FF0, v19;
	v19 =	vshrl.u32 v15, $0x11;
	[tilespmem:v5+s11+$0x0] =	vst.idx.add.f32.msk $0xffff, v3;
	v3 =	vmovc v15  }
0x89: {  	v5 =	vshrl.u32 v16, $0x11;
	v6 =	vor.u32 v1, v6;
	v15 =	vand.u32 $0x7FF0, v19;
	[tilespmem:v13+s10+$0x0] =	vst.idx.add.f32.msk $0xffff, v2  }
0x8a: {  	v19 =	vand.u32 $0x7FF0, v5;
	v5 =	vor.u32 v1, v15;
	[tilespmem:v13+s11+$0x0] =	vst.idx.add.f32.msk $0xffff, v7  }
0x8b: {  	v7 =	vor.u32 v1, v19;
	[tilespmem:v14+s10+$0x0] =	vst.idx.add.f32.msk $0xffff, v2  }
0x8c: {  	[tilespmem:v14+s11+$0x0] =	vst.idx.add.f32.msk $0xffff, v8  }
0x8d: {  	[tilespmem:v17+s10+$0x0] =	vst.idx.add.f32.msk $0xffff, v2  }
0x8e: {  	[tilespmem:v17+s11+$0x0] =	vst.idx.add.f32.msk $0xffff, v9  }
0x8f: {  	[tilespmem:v18+s10+$0x0] =	vst.idx.add.f32.msk $0xffff, v2  }
.Ltmp2:
0x90: {  	[tilespmem:v7+s10+$0x0] =	vst.idx.add.f32.msk $0xffff, v2;
	(pc) =	sbr.rel @p0 .LBB2_6-.Ltmp2, $4  }
0x91: {  	[tilespmem:v7+s11+$0x0] =	vst.idx.add.f32.msk $0xffff, v16  }
0x92: {  	[tilespmem:v18+s11+$0x0] =	vst.idx.add.f32.msk $0xffff, v10  }
0x93: {  	[tilespmem:v12+s10+$0x0] =	vst.idx.add.f32.msk $0xffff, v2  }
0x94: {  	s16 =	sadd.s32 $0x80, s16;
	[tilespmem:v12+s11+$0x0] =	vst.idx.add.f32.msk $0xffff, v11  }
0x95: {  	_ =	sdelay $0x3  }
0x96: {  	[tilespmem:v6+s10+$0x0] =	vst.idx.add.f32.msk $0xffff, v2  }
0x97: {  	[tilespmem:v5+s10+$0x0] =	vst.idx.add.f32.msk $0xffff, v2  }
0x98: {  	[tilespmem:v6+s11+$0x0] =	vst.idx.add.f32.msk $0xffff, v4  }
0x99: {  	[tilespmem:v5+s11+$0x0] =	vst.idx.add.f32.msk $0xffff, v3  }
0x9a: {  	[hbm4b:s5+s2] =	stream.linear.scatter [tilespmem:s10], [sflag:$0x3], $0x4000, $0x38;
	[tilespmem:$0xC000] =	vst v63  }
0x9b: {  	s14 =	sadd.s32 $0x1, s14;
	_ =	swait.ge [sflag:s13], $0x4000  }
0x9c: {  	p0 =	sne.s32 s14, s7;
	[sflag:s13] =	ssyncset.done $0x0  }
.Ltmp3:
0x9d: {  	[sflag:s13] =	ssyncadd.s32 $0xFFFFC000;
	(pc) =	sbr.rel @p0 .LBB2_1-.Ltmp3, $4  }
0x9e: {  	[hbm4b:s6+s2] =	stream.linear.scatter [tilespmem:s11], [sflag:$0x3], $0x4000, $0x38;
	[tilespmem:$0xC000] =	vst v63  }
0x9f: {  	_ =	swait.ge [sflag:s13], $0x4000  }
0xa0: {  	[sflag:s13] =	ssyncset.done $0x0  }
0xa1: {  	[sflag:s13] =	ssyncadd.s32 $0xFFFFC000  }
0xa2: {  	_ =	sfence.sel $0x180000  }
0xa3: {  	[bflag:$0x0] =	sbarrier.arrive $0xFFFF  }
0xa4: {  	p0 =	sne.s32 s1, $0x0;
	_ =	strace $0x9000004A  }
0xa5: {  	s0 =	sadd.s32 @!p0 $0x100000, s0;
	[bflag:$0x2] =	sbarrier.arrive $0xFFFF  }
0xa6: {  	[sflag:s0] =	ssyncadd.tile.s32 @!p0 $0x1;
	_ =	shalt  }
.Lfunc_end2:
_tile_overlayer_lowered:
.L_overlay_start_2:
0xa7: {  	(tag) =	ssettag $0x2  }
0xa8: {  	s0 =	rddreg [dreg:$0x0];
	s2 =	stileid.u32  }
0xa9: {  	s1 =	rddreg [dreg:$0x1];
	p0 =	sne.s32 s2, $0x0  }
0xaa: {  	s3 =	rddreg [dreg:$0x2];
	[bflag:$0x3] =	sbarrier.arrive $0xFFFF;
	s2 =	simm.s32 @!p0 $0x1C03  }
0xab: {  	[timem:s3], [sflag:s2] =	dma.local @!p0 [hbm:s0], s1  }
0xac: {  	s0 =	simm.s32 @!p0 $0x3  }
0xad: {  	_ =	swait.ge @!p0 [sflag:s0], s1  }
0xae: {  	s1 =	ssub.s32 @!p0 $0x0, s1;
	[sflag:s0] =	ssyncset.done @!p0 $0x0  }
0xaf: {  	[sflag:s0] =	ssyncadd.s32 @!p0 s1  }
0xb0: {  	[bflag:$0x3] =	sbarrier.arrive $0xFFFF  }
0xb1: {  	_ =	shalt  }

// kernel: kernel.8.cloned.1.call-start
scs
__scs_entry_jumppad:
0x0: {  	(pc) =	sbr.rel $0x88, $3  }
0x1: {  	(tag) =	ssettag $0x0;
	lr =	simm.s32 $0x1  }
0x2: {  	[smem:$0x3F9F] =	sst lr;
	_ =	strace $0xD0000000  }
0x3: {  	_ = 	snop  }
0x4: {  	_ = 	snop  }
0x5: {  	_ = 	snop  }
0x6: {  	_ = 	snop  }
0x7: {  	_ = 	snop  }
__scs_overlays_trampoline_lowered:
0x8: {  	[smem:$0x3FAE] =	sst s0  }
0x9: {  	[smem:$0x3FAF] =	sst s1  }
0xa: {  	[smem:$0x3FB0] =	sst s2  }
0xb: {  	[smem:$0x3FB1] =	sst s3  }
0xc: {  	[smem:$0x3FB2] =	sst s4  }
0xd: {  	[smem:$0x3FB3] =	sst s5  }
0xe: {  	[smem:$0x3FB4] =	sst s6  }
0xf: {  	[smem:$0x3FB5] =	sst s7  }
0x10: {  	[smem:$0x3FB6] =	sst s8  }
0x11: {  	[smem:$0x3FB7] =	sst s9;
	s0 =	simm.s32 @!p0 $0x0  }
0x12: {  	s1 =	sld [smem:$0x3F9D];
	s0 =	simm.s32 @p0 $0x1  }
0x13: {  	[smem:$0x3FB8] =	sst s0;
	s0 =	simm.s32 @!p1 $0x0  }
0x14: {  	s2 =	sld [smem:$0x3F9C];
	s0 =	simm.s32 @p1 $0x1  }
0x15: {  	[smem:$0x3FB9] =	sst s0;
	s0 =	simm.s32 @!p2 $0x0  }
0x16: {  	s3 =	sld [smem:$0x3FDB];
	s0 =	simm.s32 @p2 $0x1  }
0x17: {  	s4 =	simm.s32 $0x1BF5;
	[smem:$0x3FBB] =	sst s0  }
0x18: {  	s0 =	sld [smem:$0x3F9E];
	_ =	swait.ge [sflag:s4], $0x0  }
0x19: {  	s7 =	sld [smem:$0x3F9F]  }
0x1a: {  	s8 =	sadd.s32 $0xFFFFE003, lr  }
0x1b: {  	s9 =	sadd.s32 $0xFFFFFEF7, lr;
	s5 =	simm.s32 $0xFFFFFFFF;
	p2 =	slt.u32 s8, $0xFFFFF086  }
0x1c: {  	p1 =	slt.u32 s9, $0xF7A;
	s5 =	simm.s32 @!p2 $0x0  }
0x1d: {  	s5 =	simm.s32 @p1 $0x1;
	p0 =	seq.s32 s7, s2  }
0x1e: {  	s7 =	smul.u32 @!p0 $0xF7A, s2;
	p2 =	seq.s32 @!p0 s5, $0x0  }
0x1f: {  	s9 =	smul.u32 $0xF7A, s1;
	s8 =	simm.s32 @!p0 $0x1BF5;
	p2 =	por !p2, p0  }
0x20: {  	[sflag:s8] =	ssyncset.s32 @!p0 $0xFFFFF086;
	s6 =	sadd.s32 @!p0 s3, s7;
	s7 =	simm.s32 @!p0 $0x108  }
0x21: {  	s3 =	sadd.s32 s3, s9;
	s6 =	sadd.s32 @!p0 $0x88, s6;
	s7 =	simm.s32 @p2 $0x1082  }
0x22: {  	[simem:s7], [sflag:s8] =	dma.local @!p0 [hbm:s6], $0xF7A  }
0x23: {  	s9 =	sor.u32 $0xD0000000, s2;
	s6 =	simm.s32 $0x108;
	_ =	swait.ge @!p0 [sflag:s8], $0x0  }
0x24: {  	s3 =	sadd.s32 $0x88, s3;
	s6 =	simm.s32 @!p1 $0x1082;
	[sflag:s4] =	ssyncset.s32 $0xFFFFF086  }
0x25: {  	[simem:s6], [sflag:s4] =	dma.local [hbm:s3], $0xF7A  }
0x26: {  	[smem:$0x3F9F] =	sst s1;
	(tag) =	ssettag s2;
	_ =	strace s9  }
0x27: {  	s1 =	sld [smem:$0x3FAF]  }
0x28: {  	s2 =	sld [smem:$0x3FB0]  }
0x29: {  	s4 =	sld [smem:$0x3FB2]  }
0x2a: {  	p0 =	seq.s32 s5, $0x0;
	s5 =	sld [smem:$0x3FB3]  }
0x2b: {  	s6 =	sld [smem:$0x3FB4]  }
0x2c: {  	s7 =	sld [smem:$0x3FB5]  }
0x2d: {  	s3 =	simm.s32 $0x108;
	s8 =	sld [smem:$0x3FB6]  }
0x2e: {  	s3 =	simm.s32 @!p0 $0x1082;
	s9 =	sld [smem:$0x3FB7]  }
0x2f: {  	lr =	sadd.s32 s0, s3;
	s0 =	sld [smem:$0x3FAE]  }
0x30: {  	s3 =	sld [smem:$0x3FB1]  }
0x31: {  	[smem:$0x3FBA] =	sst s10  }
0x32: {  	s10 =	sld [smem:$0x3FB8];
	_ =	sdelay $0x3  }
0x33: {  	p0 =	seq.s32 s10, $0x1;
	s10 =	sld [smem:$0x3FBA];
	_ =	sdelay $0x3  }
0x34: {  	[smem:$0x3FBA] =	sst s10  }
0x35: {  	s10 =	sld [smem:$0x3FB9];
	_ =	sdelay $0x3  }
0x36: {  	p1 =	seq.s32 s10, $0x1;
	s10 =	sld [smem:$0x3FBA];
	_ =	sdelay $0x3  }
0x37: {  	[smem:$0x3FBA] =	sst s10  }
0x38: {  	s10 =	sld [smem:$0x3FBB]  }
0x39: {  	_ = 	snop;
	(pc) =	sbr.ind lr, $3  }
0x3a: {  	_ = 	snop  }
0x3b: {  	_ = 	snop  }
0x3c: {  	p2 =	seq.s32 s10, $0x1;
	s10 =	sld [smem:$0x3FBA]  }
0x3d: {  	_ =	shalt  }
0x3e: {  	_ =	shalt  }
0x3f: {  	_ =	shalt  }
0x40: {  	_ =	shalt  }
0x41: {  	_ =	shalt  }
0x42: {  	_ =	shalt  }
0x43: {  	_ =	shalt  }
0x44: {  	_ =	shalt  }
0x45: {  	_ =	shalt  }
0x46: {  	_ =	shalt  }
0x47: {  	_ =	shalt  }
0x48: {  	_ =	shalt  }
0x49: {  	_ =	shalt  }
0x4a: {  	_ =	shalt  }
0x4b: {  	_ =	shalt  }
0x4c: {  	_ =	shalt  }
0x4d: {  	_ =	shalt  }
0x4e: {  	_ =	shalt  }
0x4f: {  	_ =	shalt  }
0x50: {  	_ =	shalt  }
0x51: {  	_ =	shalt  }
0x52: {  	_ =	shalt  }
0x53: {  	_ =	shalt  }
0x54: {  	_ =	shalt  }
0x55: {  	_ =	shalt  }
0x56: {  	_ =	shalt  }
0x57: {  	_ =	shalt  }
0x58: {  	_ =	shalt  }
0x59: {  	_ =	shalt  }
0x5a: {  	_ =	shalt  }
0x5b: {  	_ =	shalt  }
0x5c: {  	_ =	shalt  }
0x5d: {  	_ =	shalt  }
0x5e: {  	_ =	shalt  }
0x5f: {  	_ =	shalt  }
0x60: {  	_ =	shalt  }
0x61: {  	_ =	shalt  }
0x62: {  	_ =	shalt  }
0x63: {  	_ =	shalt  }
0x64: {  	_ =	shalt  }
0x65: {  	_ =	shalt  }
0x66: {  	_ =	shalt  }
0x67: {  	_ =	shalt  }
0x68: {  	_ =	shalt  }
0x69: {  	_ =	shalt  }
0x6a: {  	_ =	shalt  }
0x6b: {  	_ =	shalt  }
0x6c: {  	_ =	shalt  }
0x6d: {  	_ =	shalt  }
0x6e: {  	_ =	shalt  }
0x6f: {  	_ =	shalt  }
0x70: {  	_ =	shalt  }
0x71: {  	_ =	shalt  }
0x72: {  	_ =	shalt  }
0x73: {  	_ =	shalt  }
0x74: {  	_ =	shalt  }
0x75: {  	_ =	shalt  }
0x76: {  	_ =	shalt  }
0x77: {  	_ =	shalt  }
0x78: {  	_ =	shalt  }
0x79: {  	_ =	shalt  }
0x7a: {  	_ =	shalt  }
0x7b: {  	_ =	shalt  }
0x7c: {  	_ =	shalt  }
0x7d: {  	_ =	shalt  }
0x7e: {  	_ =	shalt  }
0x7f: {  	_ =	shalt  }
0x80: {  	_ =	shalt  }
0x81: {  	_ =	shalt  }
0x82: {  	_ =	shalt  }
0x83: {  	_ =	shalt  }
0x84: {  	_ =	shalt  }
0x85: {  	_ =	shalt  }
0x86: {  	_ =	shalt  }
0x87: {  	_ =	shalt  }
.Lfunc_end0:
.L_simem_size_0:
called_computation_lowered:
.L_overlay_start_0:
0x88: {  	s2 =	sld [smem:$0x3FD9]  }
0x89: {  	s3 =	sld [smem:$0x3FFE];
	_ =	sdelay $0x1  }
0x8a: {  	s1 =	srdreg.scid  }
0x8b: {  	s0 =	sand.u32 $0x1, s1  }
0x8c: {  	s16 =	sshll.u32 s0, $0xA;
	s2 =	sadd.s32 s3, s2  }
0x8d: {  	s2 =	sadd.s32 s2, s16  }
0x8e: {  	[smem:$0x3FC6] =	sst s2  }
0x8f: {  	_ = 	snop  }
0x90: {  	(tm) =	ssettm $0x1  }
0x91: {  	s17 =	sld [smem:$0x3FFB];
	_ =	sdelay $0x3  }
0x92: {  	_ =	strace s17  }
0x93: {  	s2 =	sld [smem:$0x3FFC];
	_ =	sdelay $0x3  }
0x94: {  	_ =	strace s2  }
0x95: {  	s2 =	sld [smem:$0x3FFD];
	_ =	sdelay $0x3  }
0x96: {  	_ =	strace s2  }
0x97: {  	_ =	strace $0x8FFFFFFF  }
0x98: {  	s18 =	sld [smem:$0x3FDB];
	_ =	sdelay $0x1  }
0x99: {  	s19 =	simm.s32 $_scs_section_size  }
0x9a: {  	s4 =	simm.s32 $_size__tile_overlayer_lowered;
	s5 =	simm.s32 $_tile_overlayer_lowered  }
0x9b: {  	s22 =	simm.s32 $0x1BFF;
	s21 =	sshll.u32 s5, $0x1;
	s2 =	sadd.s32 s19, s18  }
0x9c: {  	s6 =	simm.s32 $0x0;
	s20 =	sshll.u32 s4, $0x1;
	s4 =	sadd.s32 s21, s2  }
0x9d: {  	[timem:s6], [sflag:s22] =	dma.local [hbm:s4], s20  }
0x9e: {  	_ =	swait.ge [sflag:s22], s20  }
0x9f: {  	s3 =	ssub.s32 $0x0, s20;
	[sflag:s22] =	ssyncset.done $0x0  }
0xa0: {  	[sflag:s22] =	ssyncadd.s32 s3;
	_ =	sdelay $0x1  }
0xa1: {  	s23 =	simm.s32 $0x1B8B  }
0xa2: {  	_ =	swait.ge [sflag:s23], $0x1  }
0xa3: {  	[sflag:s23] =	ssyncset.done $0x0  }
0xa4: {  	s25 =	simm.s32 $0x1B8E;
	s24 =	sld [smem:$0x3FFE];
	[sflag:s23] =	ssyncadd.s32 $0xFFFFFFFF  }
0xa5: {  	s26 =	simm.s32 $execute0_lowered;
	[smem:$0x3FD2] =	sst s25  }
0xa6: {  	s4 =	sshll.u32 s26, $0x1;
	_ =	strace $0x80000046;
	[dreg:$0x1] =	wrdreg $0xFFFFFFFF  }
0xa7: {  	s28 =	simm.s32 $_size_execute0_lowered;
	s2 =	sadd.s32 s2, s4;
	[dreg:$0x0] =	wrdreg $0x0  }
0xa8: {  	s4 =	sshll.u32 s28, $0x1;
	[dreg:$0x2] =	wrdreg s2  }
0xa9: {  	[dreg:$0x3] =	wrdreg s4  }
0xaa: {  	[dreg:$0x4] =	wrdreg $0xC0  }
0xab: {  	_ =	task [dreg:s6], $0x5FFFF  }
0xac: {  	[dreg:$0x1] =	wrdreg $0xFFFFFFFF  }
0xad: {  	[dreg:$0x0] =	wrdreg $0x60  }
0xae: {  	[dreg:$0x2] =	wrdreg s24  }
0xaf: {  	[dreg:$0x3] =	wrdreg $0x9  }
0xb0: {  	_ =	task.clear_ibuf [dreg:s6], $0x4FFFF;
	_ =	strace $0x90000046  }
0xb1: {  	s29 =	simm.s32 $0x9;
	_ =	strace $0x80000048  }
0xb2: {  	_ =	swait.ge [sflag:s29], $0x1  }
0xb3: {  	[sflag:s29] =	ssyncadd.s32 $0xFFFFFFFF  }
0xb4: {  	_ =	strace $0x90000048  }
0xb5: {  	_ =	sfence  }
0xb6: {  	s30 =	sld [smem:$0x0];
	_ =	sdelay $0x2  }
0xb7: {  	s31 =	sshll.u32 s1, $0xD;
	s1 =	sshrl.u32 s1, $0x2  }
0xb8: {  	s3 =	sand.u32 $0x4000, s31;
	s1 =	sadd.s32 s1, s30  }
0xb9: {  	s0 =	sor.u32 s3, s0;
	s1 =	sshll.u32 s1, $0x11  }
0xba: {  	s0 =	sor.u32 s1, s0  }
0xbb: {  	s0 =	sadd.s32 $0x8F2B, s0  }
0xbc: {  	[sflag:s0] =	ssyncadd.remote.s32 $0x1  }
0xbd: {  	_ =	sfence.sel $0xFFFF  }
0xbe: {  	[dreg:$0x0] =	wrdreg $0xFFFFFFFF;
	(pc) =	sbr.abs _section_cstart, $3  }
0xbf: {  	[dreg:$0x1] =	wrdreg $0xFFFFFFFF  }
0xc0: {  	_ =	task.clear_ibuf [dreg:s6], $0x2FFFF;
	_ =	strace $0x9FFFFFFF  }
0xc1: {  	(tm) =	ssettm $0x7FFFFFFF  }
tec
execute0_lowered:
.L_overlay_start_1:
0x0: {  	(tag) =	ssettag $0x1  }
0x1: {  	s1 =	srdreg.scid  }
0x2: {  	s0 =	stileid.u32;
	s3 =	rddreg [dreg:$0x0]  }
0x3: {  	s2 =	simm.s32 $0x0;
	s9 =	simm.s32 $0x1;
	s10 =	simm.s32 $0xC000  }
0x4: {  	s11 =	simm.s32 $0x10000;
	s4 =	sand.u32 $0x1, s1;
	s5 =	sshll.u32 s0, $0x1  }
0x5: {  	s12 =	simm.s32 $0x2;
	s13 =	simm.s32 $0x3;
	s5 =	sor.u32 s4, s5  }
0x6: {  	s14 =	simm.s32 $0x0;
	[smem:$0x7FF] =	sst s2;
	s6 =	smul.u32 $0xC000, s5  }
0x7: {  	s1 =	rddreg [dreg:$0x1];
	_ =	strace $0x80000047;
	s4 =	ssub.s32 $0x2, s4  }
0x8: {  	s5 =	sshll.u32 s5, $0xB;
	s7 =	sshrl.u32 s4, $0x1;
	s6 =	sshrl.u32 s6, $0x3  }
0x9: {  	s8 =	sadd.s32 s5, s3;
	s7 =	ssub.s32 s4, s7;
	s6 =	sadd.s32 s6, s3  }
0xa: {  	s5 =	sadd.s32 $0x32000, s8;
	s7 =	smax.u32 s7, $0x1;
	s3 =	sadd.s32 $0x2000, s6  }
0xb: {  	v0 =	vimm.f32 $0.0e+00;
	v1 =	vlaneseq.u32;
	v2 =	vimm.f32 $1.000000000e+00;
	s4 =	sadd.s32 $0x2C00, s6;
	s6 =	sadd.s32 $0x42000, s8;
	s8 =	simm.s32 $0x6000  }
.LBB2_1:
0xc: {  	[tilespmem:s2], [sflag:$0x1] =	stream.linear.gather [hbm4b:s3+s2], $0x6000, $0x38;
	[tilespmem:$0x14000] =	vst v63  }
0xd: {  	s15 =	simm.s32 $0xC040  }
0xe: {  	[tilespmem:s15+$0x30] =	vst v0  }
0xf: {  	[tilespmem:s15+$0xFFFFFFF0] =	vst v0  }
0x10: {  	[tilespmem:s15+$0xFFFFFFC0] =	vst v0  }
0x11: {  	[tilespmem:s15+$0xFFFFFFE0] =	vst v0  }
0x12: {  	[tilespmem:s15+$0x10] =	vst v0  }
0x13: {  	[tilespmem:s15+$0x20] =	vst v0  }
0x14: {  	[tilespmem:s15+$0x0] =	vst v0  }
0x15: {  	s16 =	simm.s32 $0x10040;
	[tilespmem:s15+$0xFFFFFFD0] =	vst v0  }
0x16: {  	[tilespmem:s16+$0xFFFFFFC0] =	vst v0  }
0x17: {  	[tilespmem:s16+$0x30] =	vst v0  }
0x18: {  	[tilespmem:s16+$0x20] =	vst v0  }
0x19: {  	[tilespmem:s16+$0x10] =	vst v0  }
0x1a: {  	[tilespmem:s16+$0xFFFFFFE0] =	vst v0  }
0x1b: {  	[tilespmem:s16+$0x0] =	vst v0  }
0x1c: {  	s17 =	simm.s32 $0x0;
	[tilespmem:s16+$0xFFFFFFF0] =	vst v0  }
.LBB2_2:
0x1d: {  	s17 =	sadd.s32 $0x8, s17;
	[tilespmem:s16+$0xFFFFFFD0] =	vst v0;
	s15 =	sadd.s32 $0x80, s15;
	s16 =	sadd.s32 $0x80, s16  }
0x1e: {  	[tilespmem:s15+$0x30] =	vst v0;
	p0 =	slt.u32 s17, $0x3F8  }
0x1f: {  	[tilespmem:s15+$0xFFFFFFF0] =	vst v0  }
0x20: {  	[tilespmem:s15+$0xFFFFFFC0] =	vst v0  }
0x21: {  	[tilespmem:s16+$0xFFFFFFC0] =	vst v0  }
0x22: {  	[tilespmem:s16+$0x30] =	vst v0  }
0x23: {  	[tilespmem:s15+$0xFFFFFFE0] =	vst v0  }
0x24: {  	[tilespmem:s15+$0x10] =	vst v0  }
0x25: {  	[tilespmem:s15+$0x20] =	vst v0  }
0x26: {  	[tilespmem:s16+$0x20] =	vst v0  }
0x27: {  	[tilespmem:s16+$0x10] =	vst v0  }
.Ltmp0:
0x28: {  	[tilespmem:s16+$0xFFFFFFE0] =	vst v0;
	(pc) =	sbr.rel @p0 .LBB2_2-.Ltmp0, $4  }
0x29: {  	[tilespmem:s15+$0x0] =	vst v0  }
0x2a: {  	[tilespmem:s16+$0x0] =	vst v0  }
0x2b: {  	[tilespmem:s16+$0xFFFFFFF0] =	vst v0  }
0x2c: {  	[tilespmem:s15+$0xFFFFFFD0] =	vst v0  }
0x2d: {  	[tilespmem:s16+$0xFFFFFFD0] =	vst v0  }
0x2e: {  	[tilespmem:s8], [sflag:$0x2] =	stream.linear.gather [hbm4b:s4+s2], $0x6000, $0x38;
	[tilespmem:$0x14000] =	vst v63  }
0x2f: {  	_ =	swait.ge [sflag:s9], $0x6000  }
0x30: {  	[sflag:s9] =	ssyncset.done $0x0  }
0x31: {  	s15 =	simm.s32 $0x40;
	[sflag:s9] =	ssyncadd.s32 $0xFFFFA000  }
0x32: {  	v5 =	vld [tilespmem:s15+$0x30]  }
0x33: {  	v7 =	vld [tilespmem:s15+$0xFFFFFFE0];
	_ =	sdelay $0x1  }
0x34: {  	v6 =	vld [tilespmem:s15+$0xFFFFFFD0];
	_ =	sdelay $0x1  }
0x35: {  	v8 =	vld [tilespmem:s15+$0xFFFFFFF0];
	v3 =	vshrl.u32 v5, $0x11  }
0x36: {  	v12 =	vshrl.u32 v7, $0x11;
	v3 =	vand.u32 $0x7FF0, v3  }
0x37: {  	v12 =	vand.u32 $0x7FF0, v12;
	v10 =	vor.u32 v1, v3  }
0x38: {  	v9 =	vld [tilespmem:s15+$0xFFFFFFC0];
	v4 =	vshrl.u32 v6, $0x11;
	v12 =	vor.u32 v1, v12  }
0x39: {  	v11 =	vld [tilespmem:s15+$0x0];
	v3 =	vand.u32 $0x7FF0, v4  }
0x3a: {  	v14 =	vshrl.u32 v8, $0x11;
	v4 =	vld [tilespmem:s15+$0x10];
	v13 =	vor.u32 v1, v3  }
0x3b: {  	v14 =	vand.u32 $0x7FF0, v14;
	v3 =	vld [tilespmem:s15+$0x20]  }
0x3c: {  	v14 =	vor.u32 v1, v14;
	[tilespmem:v10+s10+$0x0] =	vst.idx.add.f32.msk $0xffff, v2  }
0x3d: {  	v15 =	vshrl.u32 v9, $0x11;
	[tilespmem:v12+s10+$0x0] =	vst.idx.add.f32.msk $0xffff, v2  }
0x3e: {  	v15 =	vand.u32 $0x7FF0, v15;
	[tilespmem:v10+s11+$0x0] =	vst.idx.add.f32.msk $0xffff, v5  }
0x3f: {  	v63 =	vshrl.u32 v11, $0x11;
	v5 =	vor.u32 v1, v15;
	[tilespmem:v13+s10+$0x0] =	vst.idx.add.f32.msk $0xffff, v2  }
0x40: {  	[tilespmem:v13+s11+$0x0] =	vst.idx.add.f32.msk $0xffff, v6;
	v6 =	vand.u32 $0x7FF0, v63  }
0x41: {  	[tilespmem:v14+s10+$0x0] =	vst.idx.add.f32.msk $0xffff, v2;
	v10 =	vor.u32 v1, v6  }
0x42: {  	[tilespmem:v12+s11+$0x0] =	vst.idx.add.f32.msk $0xffff, v7  }
0x43: {  	[tilespmem:v14+s11+$0x0] =	vst.idx.add.f32.msk $0xffff, v8  }
0x44: {  	[tilespmem:v5+s10+$0x0] =	vst.idx.add.f32.msk $0xffff, v2  }
0x45: {  	v6 =	vshrl.u32 v3, $0x11;
	[tilespmem:v5+s11+$0x0] =	vst.idx.add.f32.msk $0xffff, v9;
	v5 =	vshrl.u32 v4, $0x11  }
0x46: {  	v7 =	vand.u32 $0x7FF0, v6;
	v5 =	vand.u32 $0x7FF0, v5;
	[tilespmem:v10+s10+$0x0] =	vst.idx.add.f32.msk $0xffff, v2  }
0x47: {  	s16 =	simm.s32 $0xC0;
	s15 =	simm.s32 $0x0;
	v6 =	vor.u32 v1, v5;
	v5 =	vor.u32 v1, v7;
	[tilespmem:v10+s11+$0x0] =	vst.idx.add.f32.msk $0xffff, v11  }
.LBB2_4:
0x48: {  	v7 =	vld [tilespmem:s16+$0x30]  }
0x49: {  	s15 =	sadd.s32 $0x8, s15;
	v8 =	vld [tilespmem:s16+$0xFFFFFFD0]  }
0x4a: {  	p0 =	slt.u32 s15, $0x5F8;
	v9 =	vld [tilespmem:s16+$0xFFFFFFE0]  }
0x4b: {  	v10 =	vld [tilespmem:s16+$0xFFFFFFF0]  }
0x4c: {  	v11 =	vld [tilespmem:s16+$0x0]  }
0x4d: {  	v12 =	vld [tilespmem:s16+$0x10];
	v13 =	vshrl.u32 v7, $0x11  }
0x4e: {  	v14 =	vshrl.u32 v8, $0x11;
	v15 =	vld [tilespmem:s16+$0x20];
	v13 =	vand.u32 $0x7FF0, v13  }
0x4f: {  	v16 =	vld [tilespmem:s16+$0xFFFFFFC0];
	v14 =	vand.u32 $0x7FF0, v14;
	v17 =	vshrl.u32 v9, $0x11;
	v13 =	vor.u32 v1, v13  }
0x50: {  	v14 =	vor.u32 v1, v14;
	v17 =	vand.u32 $0x7FF0, v17;
	v18 =	vshrl.u32 v10, $0x11;
	[tilespmem:v6+s10+$0x0] =	vst.idx.add.f32.msk $0xffff, v2  }
0x51: {  	v17 =	vor.u32 v1, v17;
	v18 =	vand.u32 $0x7FF0, v18;
	v19 =	vshrl.u32 v11, $0x11;
	[tilespmem:v6+s11+$0x0] =	vst.idx.add.f32.msk $0xffff, v4  }
0x52: {  	v18 =	vor.u32 v1, v18;
	v6 =	vand.u32 $0x7FF0, v19;
	v19 =	vshrl.u32 v12, $0x11;
	[tilespmem:v5+s10+$0x0] =	vst.idx.add.f32.msk $0xffff, v2;
	v4 =	vmovc v12  }
0x53: {  	v12 =	vor.u32 v1, v6;
	v6 =	vand.u32 $0x7FF0, v19;
	v19 =	vshrl.u32 v15, $0x11;
	[tilespmem:v5+s11+$0x0] =	vst.idx.add.f32.msk $0xffff, v3;
	v3 =	vmovc v15  }
0x54: {  	v5 =	vshrl.u32 v16, $0x11;
	v6 =	vor.u32 v1, v6;
	v15 =	vand.u32 $0x7FF0, v19;
	[tilespmem:v13+s10+$0x0] =	vst.idx.add.f32.msk $0xffff, v2  }
0x55: {  	v19 =	vand.u32 $0x7FF0, v5;
	v5 =	vor.u32 v1, v15;
	[tilespmem:v13+s11+$0x0] =	vst.idx.add.f32.msk $0xffff, v7  }
0x56: {  	v7 =	vor.u32 v1, v19;
	[tilespmem:v14+s10+$0x0] =	vst.idx.add.f32.msk $0xffff, v2  }
0x57: {  	[tilespmem:v14+s11+$0x0] =	vst.idx.add.f32.msk $0xffff, v8  }
0x58: {  	[tilespmem:v17+s10+$0x0] =	vst.idx.add.f32.msk $0xffff, v2  }
0x59: {  	[tilespmem:v17+s11+$0x0] =	vst.idx.add.f32.msk $0xffff, v9  }
0x5a: {  	[tilespmem:v18+s10+$0x0] =	vst.idx.add.f32.msk $0xffff, v2  }
.Ltmp1:
0x5b: {  	[tilespmem:v7+s10+$0x0] =	vst.idx.add.f32.msk $0xffff, v2;
	(pc) =	sbr.rel @p0 .LBB2_4-.Ltmp1, $4  }
0x5c: {  	[tilespmem:v7+s11+$0x0] =	vst.idx.add.f32.msk $0xffff, v16  }
0x5d: {  	[tilespmem:v18+s11+$0x0] =	vst.idx.add.f32.msk $0xffff, v10  }
0x5e: {  	[tilespmem:v12+s10+$0x0] =	vst.idx.add.f32.msk $0xffff, v2  }
0x5f: {  	s16 =	sadd.s32 $0x80, s16;
	[tilespmem:v12+s11+$0x0] =	vst.idx.add.f32.msk $0xffff, v11  }
0x60: {  	_ =	sdelay $0x3  }
0x61: {  	[tilespmem:v6+s10+$0x0] =	vst.idx.add.f32.msk $0xffff, v2  }
0x62: {  	[tilespmem:v5+s10+$0x0] =	vst.idx.add.f32.msk $0xffff, v2  }
0x63: {  	[tilespmem:v6+s11+$0x0] =	vst.idx.add.f32.msk $0xffff, v4  }
0x64: {  	[tilespmem:v5+s11+$0x0] =	vst.idx.add.f32.msk $0xffff, v3  }
0x65: {  	_ =	swait.ge [sflag:s12], $0x6000  }
0x66: {  	[sflag:s12] =	ssyncset.done $0x0  }
0x67: {  	s15 =	simm.s32 $0x6040;
	[sflag:s12] =	ssyncadd.s32 $0xFFFFA000  }
0x68: {  	v5 =	vld [tilespmem:s15+$0x30]  }
0x69: {  	v7 =	vld [tilespmem:s15+$0xFFFFFFE0];
	_ =	sdelay $0x1  }
0x6a: {  	v6 =	vld [tilespmem:s15+$0xFFFFFFD0];
	_ =	sdelay $0x1  }
0x6b: {  	v8 =	vld [tilespmem:s15+$0xFFFFFFF0];
	v3 =	vshrl.u32 v5, $0x11  }
0x6c: {  	v12 =	vshrl.u32 v7, $0x11;
	v3 =	vand.u32 $0x7FF0, v3  }
0x6d: {  	v12 =	vand.u32 $0x7FF0, v12;
	v10 =	vor.u32 v1, v3  }
0x6e: {  	v9 =	vld [tilespmem:s15+$0xFFFFFFC0];
	v4 =	vshrl.u32 v6, $0x11;
	v12 =	vor.u32 v1, v12  }
0x6f: {  	v11 =	vld [tilespmem:s15+$0x0];
	v3 =	vand.u32 $0x7FF0, v4  }
0x70: {  	v14 =	vshrl.u32 v8, $0x11;
	v4 =	vld [tilespmem:s15+$0x10];
	v13 =	vor.u32 v1, v3  }
0x71: {  	v14 =	vand.u32 $0x7FF0, v14;
	v3 =	vld [tilespmem:s15+$0x20]  }
0x72: {  	v14 =	vor.u32 v1, v14;
	[tilespmem:v10+s10+$0x0] =	vst.idx.add.f32.msk $0xffff, v2  }
0x73: {  	v15 =	vshrl.u32 v9, $0x11;
	[tilespmem:v12+s10+$0x0] =	vst.idx.add.f32.msk $0xffff, v2  }
0x74: {  	v15 =	vand.u32 $0x7FF0, v15;
	[tilespmem:v10+s11+$0x0] =	vst.idx.add.f32.msk $0xffff, v5  }
0x75: {  	v63 =	vshrl.u32 v11, $0x11;
	v5 =	vor.u32 v1, v15;
	[tilespmem:v13+s10+$0x0] =	vst.idx.add.f32.msk $0xffff, v2  }
0x76: {  	[tilespmem:v13+s11+$0x0] =	vst.idx.add.f32.msk $0xffff, v6;
	v6 =	vand.u32 $0x7FF0, v63  }
0x77: {  	[tilespmem:v14+s10+$0x0] =	vst.idx.add.f32.msk $0xffff, v2;
	v10 =	vor.u32 v1, v6  }
0x78: {  	[tilespmem:v12+s11+$0x0] =	vst.idx.add.f32.msk $0xffff, v7  }
0x79: {  	[tilespmem:v14+s11+$0x0] =	vst.idx.add.f32.msk $0xffff, v8  }
0x7a: {  	[tilespmem:v5+s10+$0x0] =	vst.idx.add.f32.msk $0xffff, v2  }
0x7b: {  	v6 =	vshrl.u32 v3, $0x11;
	[tilespmem:v5+s11+$0x0] =	vst.idx.add.f32.msk $0xffff, v9;
	v5 =	vshrl.u32 v4, $0x11  }
0x7c: {  	v7 =	vand.u32 $0x7FF0, v6;
	v5 =	vand.u32 $0x7FF0, v5;
	[tilespmem:v10+s10+$0x0] =	vst.idx.add.f32.msk $0xffff, v2  }
0x7d: {  	s16 =	simm.s32 $0x60C0;
	s15 =	simm.s32 $0x0;
	v6 =	vor.u32 v1, v5;
	v5 =	vor.u32 v1, v7;
	[tilespmem:v10+s11+$0x0] =	vst.idx.add.f32.msk $0xffff, v11  }
.LBB2_6:
0x7e: {  	v7 =	vld [tilespmem:s16+$0x30]  }
0x7f: {  	s15 =	sadd.s32 $0x8, s15;
	v8 =	vld [tilespmem:s16+$0xFFFFFFD0]  }
0x80: {  	p0 =	slt.u32 s15, $0x5F8;
	v9 =	vld [tilespmem:s16+$0xFFFFFFE0]  }
0x81: {  	v10 =	vld [tilespmem:s16+$0xFFFFFFF0]  }
0x82: {  	v11 =	vld [tilespmem:s16+$0x0]  }
0x83: {  	v12 =	vld [tilespmem:s16+$0x10];
	v13 =	vshrl.u32 v7, $0x11  }
0x84: {  	v14 =	vshrl.u32 v8, $0x11;
	v15 =	vld [tilespmem:s16+$0x20];
	v13 =	vand.u32 $0x7FF0, v13  }
0x85: {  	v16 =	vld [tilespmem:s16+$0xFFFFFFC0];
	v14 =	vand.u32 $0x7FF0, v14;
	v17 =	vshrl.u32 v9, $0x11;
	v13 =	vor.u32 v1, v13  }
0x86: {  	v14 =	vor.u32 v1, v14;
	v17 =	vand.u32 $0x7FF0, v17;
	v18 =	vshrl.u32 v10, $0x11;
	[tilespmem:v6+s10+$0x0] =	vst.idx.add.f32.msk $0xffff, v2  }
0x87: {  	v17 =	vor.u32 v1, v17;
	v18 =	vand.u32 $0x7FF0, v18;
	v19 =	vshrl.u32 v11, $0x11;
	[tilespmem:v6+s11+$0x0] =	vst.idx.add.f32.msk $0xffff, v4  }
0x88: {  	v18 =	vor.u32 v1, v18;
	v6 =	vand.u32 $0x7FF0, v19;
	v19 =	vshrl.u32 v12, $0x11;
	[tilespmem:v5+s10+$0x0] =	vst.idx.add.f32.msk $0xffff, v2;
	v4 =	vmovc v12  }
0x89: {  	v12 =	vor.u32 v1, v6;
	v6 =	vand.u32 $0x7FF0, v19;
	v19 =	vshrl.u32 v15, $0x11;
	[tilespmem:v5+s11+$0x0] =	vst.idx.add.f32.msk $0xffff, v3;
	v3 =	vmovc v15  }
0x8a: {  	v5 =	vshrl.u32 v16, $0x11;
	v6 =	vor.u32 v1, v6;
	v15 =	vand.u32 $0x7FF0, v19;
	[tilespmem:v13+s10+$0x0] =	vst.idx.add.f32.msk $0xffff, v2  }
0x8b: {  	v19 =	vand.u32 $0x7FF0, v5;
	v5 =	vor.u32 v1, v15;
	[tilespmem:v13+s11+$0x0] =	vst.idx.add.f32.msk $0xffff, v7  }
0x8c: {  	v7 =	vor.u32 v1, v19;
	[tilespmem:v14+s10+$0x0] =	vst.idx.add.f32.msk $0xffff, v2  }
0x8d: {  	[tilespmem:v14+s11+$0x0] =	vst.idx.add.f32.msk $0xffff, v8  }
0x8e: {  	[tilespmem:v17+s10+$0x0] =	vst.idx.add.f32.msk $0xffff, v2  }
0x8f: {  	[tilespmem:v17+s11+$0x0] =	vst.idx.add.f32.msk $0xffff, v9  }
0x90: {  	[tilespmem:v18+s10+$0x0] =	vst.idx.add.f32.msk $0xffff, v2  }
.Ltmp2:
0x91: {  	[tilespmem:v7+s10+$0x0] =	vst.idx.add.f32.msk $0xffff, v2;
	(pc) =	sbr.rel @p0 .LBB2_6-.Ltmp2, $4  }
0x92: {  	[tilespmem:v7+s11+$0x0] =	vst.idx.add.f32.msk $0xffff, v16  }
0x93: {  	[tilespmem:v18+s11+$0x0] =	vst.idx.add.f32.msk $0xffff, v10  }
0x94: {  	[tilespmem:v12+s10+$0x0] =	vst.idx.add.f32.msk $0xffff, v2  }
0x95: {  	s16 =	sadd.s32 $0x80, s16;
	[tilespmem:v12+s11+$0x0] =	vst.idx.add.f32.msk $0xffff, v11  }
0x96: {  	_ =	sdelay $0x3  }
0x97: {  	[tilespmem:v6+s10+$0x0] =	vst.idx.add.f32.msk $0xffff, v2  }
0x98: {  	[tilespmem:v5+s10+$0x0] =	vst.idx.add.f32.msk $0xffff, v2  }
0x99: {  	[tilespmem:v6+s11+$0x0] =	vst.idx.add.f32.msk $0xffff, v4  }
0x9a: {  	[tilespmem:v5+s11+$0x0] =	vst.idx.add.f32.msk $0xffff, v3  }
0x9b: {  	[hbm4b:s5+s2] =	stream.linear.scatter [tilespmem:s10], [sflag:$0x3], $0x4000, $0x38;
	[tilespmem:$0x14000] =	vst v63  }
0x9c: {  	s14 =	sadd.s32 $0x1, s14;
	_ =	swait.ge [sflag:s13], $0x4000  }
0x9d: {  	p0 =	sne.s32 s14, s7;
	[sflag:s13] =	ssyncset.done $0x0  }
.Ltmp3:
0x9e: {  	[sflag:s13] =	ssyncadd.s32 $0xFFFFC000;
	(pc) =	sbr.rel @p0 .LBB2_1-.Ltmp3, $4  }
0x9f: {  	[hbm4b:s6+s2] =	stream.linear.scatter [tilespmem:s11], [sflag:$0x3], $0x4000, $0x38;
	[tilespmem:$0x14000] =	vst v63  }
0xa0: {  	_ =	swait.ge [sflag:s13], $0x4000  }
0xa1: {  	[sflag:s13] =	ssyncset.done $0x0  }
0xa2: {  	[sflag:s13] =	ssyncadd.s32 $0xFFFFC000  }
0xa3: {  	_ =	sfence.sel $0x180000  }
0xa4: {  	[bflag:$0x0] =	sbarrier.arrive $0xFFFF  }
0xa5: {  	p0 =	sne.s32 s0, $0x0;
	_ =	strace $0x90000047  }
0xa6: {  	s0 =	sadd.s32 @!p0 $0x100000, s1;
	[bflag:$0x2] =	sbarrier.arrive $0xFFFF  }
0xa7: {  	[sflag:s0] =	ssyncadd.tile.s32 @!p0 $0x1;
	_ =	shalt  }
.Lfunc_end2:
_tile_overlayer_lowered:
.L_overlay_start_2:
0xa8: {  	(tag) =	ssettag $0x2  }
0xa9: {  	s0 =	rddreg [dreg:$0x0];
	s2 =	stileid.u32  }
0xaa: {  	s1 =	rddreg [dreg:$0x1];
	p0 =	sne.s32 s2, $0x0  }
0xab: {  	s3 =	rddreg [dreg:$0x2];
	[bflag:$0x3] =	sbarrier.arrive $0xFFFF;
	s2 =	simm.s32 @!p0 $0x1C03  }
0xac: {  	[timem:s3], [sflag:s2] =	dma.local @!p0 [hbm:s0], s1  }
0xad: {  	s0 =	simm.s32 @!p0 $0x3  }
0xae: {  	_ =	swait.ge @!p0 [sflag:s0], s1  }
0xaf: {  	s1 =	ssub.s32 @!p0 $0x0, s1;
	[sflag:s0] =	ssyncset.done @!p0 $0x0  }
0xb0: {  	[sflag:s0] =	ssyncadd.s32 @!p0 s1  }
0xb1: {  	[bflag:$0x3] =	sbarrier.arrive $0xFFFF  }
0xb2: {  	_ =	shalt  }

</sc_bundles>
